<compile_context>
chip_gen: v7x
topology: tpu7x:2x2x1
jax: 0.10.2.dev20260603
libtpu: 0.0.44.dev20260713+nightly
codegen_flags: <defaults>
</compile_context>

<pallas_src>
import functools

import jax
import jax.numpy as jnp
from jax import lax
from jax.experimental import pallas as pl
from jax.experimental.pallas import tpu as pltpu
from jax.experimental.pallas import tpu_sc as plsc

B, H, W = 64, 512, 512
NC, NS = 2, 16
NW = NC * NS
BPW = B // NW
ROWS = 32
NCHUNK = H // ROWS
NT = BPW * NCHUNK
LANES = 16
CGRP = W // LANES
UNROLL = 8

_mesh = plsc.VectorSubcoreMesh(core_axis_name="c", subcore_axis_name="s")


@functools.partial(
    pl.kernel,
    out_type=jax.ShapeDtypeStruct((B, 2, H, W), jnp.float32),
    mesh=_mesh,
    compiler_params=pltpu.CompilerParams(use_tc_tiling_on_sc=True),
    scratch_types=[
        pltpu.VMEM((2, ROWS, W), jnp.float32),
        pltpu.VMEM((2, ROWS, W), jnp.float32),
        pltpu.VMEM((2, ROWS, W), jnp.float32),
        pltpu.SemaphoreType.DMA((2,)),
        pltpu.SemaphoreType.DMA((2,)),
        pltpu.SemaphoreType.DMA((2,)),
    ],
)
def _sc_mask(mask_hbm, out_hbm, in_v, bw_v, bg_v, in_sem, bw_sem, bg_sem):
    wid = lax.axis_index("s") * NC + lax.axis_index("c")
    base = wid * BPW
    one = jnp.full((LANES,), 1.0, jnp.float32)
    zero = jnp.zeros((LANES,), jnp.float32)

    def in_cp(t, slot):
        b = base + t // NCHUNK
        r0 = (t % NCHUNK) * ROWS
        return pltpu.make_async_copy(
            mask_hbm.at[b, pl.ds(r0, ROWS), :], in_v.at[slot],
            in_sem.at[slot])

    def out_cp(t, slot, chan, buf, sem):
        b = base + t // NCHUNK
        r0 = (t % NCHUNK) * ROWS
        return pltpu.make_async_copy(
            buf.at[slot], out_hbm.at[b, chan, pl.ds(r0, ROWS), :],
            sem.at[slot])

    def step(t, slot):
        @pl.when(t + 1 < NT)
        def _():
            in_cp(t + 1, 1 - slot).start()

        in_cp(t, slot).wait()

        @pl.when(t >= 2)
        def _():
            out_cp(t - 2, slot, 0, bw_v, bw_sem).wait()
            out_cp(t - 2, slot, 1, bg_v, bg_sem).wait()

        src = in_v.at[slot]
        dst_bw = bw_v.at[slot]
        dst_bg = bg_v.at[slot]

        def row_body(r, _):
            @plsc.parallel_loop(0, CGRP, unroll=UNROLL)
            def _(c):
                x = src[r, pl.ds(c * LANES, LANES)]
                dst_bw[r, pl.ds(c * LANES, LANES)] = jnp.where(
                    x > 0.0, one, zero)
                is_bg = (x == 0.0) | (x == 0.25)
                dst_bg[r, pl.ds(c * LANES, LANES)] = jnp.where(
                    is_bg, one, zero)

            return 0

        lax.fori_loop(0, ROWS, row_body, 0)

        out_cp(t, slot, 0, bw_v, bw_sem).start()
        out_cp(t, slot, 1, bg_v, bg_sem).start()

    in_cp(0, 0).start()

    def g_body(g, _):
        step(2 * g, 0)
        step(2 * g + 1, 1)
        return 0

    lax.fori_loop(0, NT // 2, g_body, 0)

    out_cp(NT - 2, 0, 0, bw_v, bw_sem).wait()
    out_cp(NT - 2, 0, 1, bg_v, bg_sem).wait()
    out_cp(NT - 1, 1, 0, bw_v, bw_sem).wait()
    out_cp(NT - 1, 1, 1, bg_v, bg_sem).wait()


def kernel(mask):
    return _sc_mask(mask.reshape(B, H, W))

# --- scband reference (transcript-rebuilt; emitter-appended) ---
"""Pipeline reference for scband-mask-bwbackground-55611236549268 (READ-ONLY COPY).

The authoritative reference and input builder live on the scoring server;
editing this copy changes nothing except your own understanding.
"""

import jax, jax.numpy as jnp
import numpy as np

# MASK label constants (from the original project's MASK dict)
MASK_IGNORE = 0.0
MASK_BACKGROUND_RING = 0.25


def setup_inputs(seed: int = 0) -> dict:
    key = jax.random.key(seed)
    # Quantize to {0.0, 0.25, 0.5, 0.75, 1.0} so that IGNORE and BACKGROUND_RING
    # labels actually occur in the mask (the original masks are label maps).
    raw = jax.random.uniform(key, (64, 1, 512, 512), dtype=jnp.float32)
    mask = jnp.round(raw * 4.0) / 4.0
    return {"mask": mask}


def reference(mask):
    # bw = zeros_like(mask); bw[mask > IGNORE] = 1.0  (scatter-overwrite via set_subtensor)
    bw = jnp.zeros_like(mask)
    bw = jnp.where(mask > MASK_IGNORE, jnp.float32(1.0), bw)
    # bg = zeros_like(mask); bg[mask == IGNORE] = 1.0; bg[mask == BACKGROUND_RING] = 1.0
    bg = jnp.zeros_like(mask)
    bg = jnp.where(mask == MASK_IGNORE, jnp.float32(1.0), bg)
    bg = jnp.where(mask == MASK_BACKGROUND_RING, jnp.float32(1.0), bg)
    # concatenate along channel axis -> (B, 2, H, W)
    return jnp.concatenate([bw, bg], axis=1)

if __name__ == "__main__":
    import jax
    _d = setup_inputs()
    print(jax.jit(kernel)(*tuple(_d.values())))

</pallas_src>

<mosaic_0001>
#map = affine_map<(d0, d1) -> (0, 0, 0)>
#map1 = affine_map<(d0, d1) -> (0, 0, 0, 0)>
module attributes {stable_mosaic.version = 14 : i64} {
  func.func @_sc_mask(%arg0: i32, %arg1: i32, %arg2: memref<64x512x512xf32, #tpu.memory_space<hbm>>, %arg3: memref<64x2x512x512xf32, #tpu.memory_space<hbm>>, %arg4: memref<2x32x512xf32, #tpu.memory_space<vmem>>, %arg5: memref<2x32x512xf32, #tpu.memory_space<vmem>>, %arg6: memref<2x32x512xf32, #tpu.memory_space<vmem>>, %arg7: memref<2x!tpu.dma_semaphore, #tpu.memory_space<semaphore_mem>>, %arg8: memref<2x!tpu.dma_semaphore, #tpu.memory_space<semaphore_mem>>, %arg9: memref<2x!tpu.dma_semaphore, #tpu.memory_space<semaphore_mem>>) attributes {dimension_semantics = [#tpu.dimension_semantics<core_parallel>, #tpu.dimension_semantics<subcore_parallel>], iteration_bounds = array<i64: 2, 16>, scalar_prefetch = 0 : i64, scratch_operands = 6 : i64, tpu.core_type = #tpu.core_type<sc_vector_subcore>, window_params = [{transform_indices = #map}, {transform_indices = #map1}]} {
    %mul3A = arith.constant 2 : i32
    %mul3A_0 = arith.muli %arg1, %mul3A : i32
    %add3A = arith.addi %mul3A_0, %arg0 : i32
    %mul3A_1 = arith.constant 2 : i32
    %mul3A_2 = arith.muli %add3A, %mul3A_1 : i32
    %broadcast_in_dim3A = arith.constant 1.000000e+00 : f32
    %broadcast_in_dim3A_3 = vector.broadcast %broadcast_in_dim3A : f32 to vector<16xf32>
    %broadcast_in_dim3A_4 = arith.constant 0.000000e+00 : f32
    %broadcast_in_dim3A_5 = vector.broadcast %broadcast_in_dim3A_4 : f32 to vector<16xf32>
    %add3A_6 = arith.constant 0 : i32
    %add3A_7 = arith.addi %mul3A_2, %add3A_6 : i32
    %dma_start3A = arith.constant 0 : i32
    %dma_start3A_8 = arith.constant 0 : i32
    %dma_start3A_9 = arith.constant 0 : i32
    %dma_start3A_10 = arith.constant 0 : i32
    %dma_start3A_11 = tpu.memref_slice %arg4[%dma_start3A, %dma_start3A_9, %dma_start3A_10] : memref<2x32x512xf32, #tpu.memory_space<vmem>> -> memref<1x32x512xf32, #tpu.memory_space<vmem>>
    %dma_start3A_12 = tpu.memref_squeeze %dma_start3A_11 : memref<1x32x512xf32, #tpu.memory_space<vmem>> -> memref<32x512xf32, #tpu.memory_space<vmem>>
    %dma_start3A_13 = arith.constant 0 : i32
    %dma_start3A_14 = arith.constant 0 : i32
    %dma_start3A_15 = tpu.memref_slice %arg2[%add3A_7, %dma_start3A_13, %dma_start3A_14] : memref<64x512x512xf32, #tpu.memory_space<hbm>> -> memref<1x32x512xf32, #tpu.memory_space<hbm>>
    %dma_start3A_16 = tpu.memref_squeeze %dma_start3A_15 : memref<1x32x512xf32, #tpu.memory_space<hbm>> -> memref<32x512xf32, #tpu.memory_space<hbm>>
    %dma_start3A_17 = tpu.memref_slice %arg7[%dma_start3A_8] : memref<2x!tpu.dma_semaphore, #tpu.memory_space<semaphore_mem>> -> memref<1x!tpu.dma_semaphore, #tpu.memory_space<semaphore_mem>>
    %dma_start3A_18 = tpu.memref_squeeze %dma_start3A_17 : memref<1x!tpu.dma_semaphore, #tpu.memory_space<semaphore_mem>> -> memref<!tpu.dma_semaphore, #tpu.memory_space<semaphore_mem>>
    %dma_start3A_19 = arith.constant 0 : i32
    %dma_start3A_20 = arith.constant 0 : i32
    %dma_start3A_21 = tpu.memref_slice %arg4[%dma_start3A, %dma_start3A_19, %dma_start3A_20] : memref<2x32x512xf32, #tpu.memory_space<vmem>> -> memref<1x32x512xf32, #tpu.memory_space<vmem>>
    %dma_start3A_22 = tpu.memref_squeeze %dma_start3A_21 : memref<1x32x512xf32, #tpu.memory_space<vmem>> -> memref<32x512xf32, #tpu.memory_space<vmem>>
    %dma_start3A_23 = arith.constant 0 : i32
    %dma_start3A_24 = arith.constant 0 : i32
    %dma_start3A_25 = tpu.memref_slice %arg2[%add3A_7, %dma_start3A_23, %dma_start3A_24] : memref<64x512x512xf32, #tpu.memory_space<hbm>> -> memref<1x32x512xf32, #tpu.memory_space<hbm>>
    %dma_start3A_26 = tpu.memref_squeeze %dma_start3A_25 : memref<1x32x512xf32, #tpu.memory_space<hbm>> -> memref<32x512xf32, #tpu.memory_space<hbm>>
    tpu.enqueue_dma source(%dma_start3A_26 : memref<32x512xf32, #tpu.memory_space<hbm>>) target(%dma_start3A_22 : memref<32x512xf32, #tpu.memory_space<vmem>>) target_semaphore(%dma_start3A_18 : memref<!tpu.dma_semaphore, #tpu.memory_space<semaphore_mem>>)
    %scan3A = arith.constant 0 : i32
    %scan3A_27 = arith.constant 0 : i32
    %scan3A_28 = arith.constant 16 : i32
    %scan3A_29 = arith.addi %scan3A_27, %scan3A_28 : i32
    %scan3A_30 = arith.constant 1 : i32
    %scan3A_31 = scf.for %scan3A_124 = %scan3A_27 to %scan3A_29 step %scan3A_30 iter_args(%scan3A_125 = %scan3A) -> (i32)  : i32 {
      %mul3A_126 = arith.constant 2 : i32
      %mul3A_127 = arith.muli %mul3A_126, %scan3A_124 : i32
      %add3A_128 = arith.constant 1 : i32
      %add3A_129 = arith.addi %mul3A_127, %add3A_128 : i32
      %lt3A = arith.constant 32 : i32
      %lt3A_130 = arith.cmpi slt, %add3A_129, %lt3A : i32
      %convert_element_type3A = arith.extui %lt3A_130 : i1 to i32
      %cond3A = arith.constant 0 : i32
      %cond3A_131 = arith.cmpi ne, %convert_element_type3A, %cond3A : i32
      scf.if %cond3A_131 {
        %add3A_534 = arith.constant 1 : i32
        %add3A_535 = arith.addi %mul3A_127, %add3A_534 : i32
        %jit3A_536 = arith.constant 16 : i32
        %div3A_537 = arith.divsi %add3A_535, %jit3A_536 : i32
        %sign3A_538 = arith.constant 0 : i32
        %sign3A_539 = arith.cmpi sgt, %add3A_535, %sign3A_538 : i32
        %sign3A_540 = arith.extui %sign3A_539 : i1 to i32
        %sign3A_541 = arith.constant 0 : i32
        %sign3A_542 = arith.cmpi slt, %add3A_535, %sign3A_541 : i32
        %sign3A_543 = arith.extui %sign3A_542 : i1 to i32
        %sign3A_544 = arith.subi %sign3A_540, %sign3A_543 : i32
        %sign3A_545 = arith.constant 0 : i32
        %sign3A_546 = arith.cmpi sgt, %jit3A_536, %sign3A_545 : i32
        %sign3A_547 = arith.extui %sign3A_546 : i1 to i32
        %sign3A_548 = arith.constant 0 : i32
        %sign3A_549 = arith.cmpi slt, %jit3A_536, %sign3A_548 : i32
        %sign3A_550 = arith.extui %sign3A_549 : i1 to i32
        %sign3A_551 = arith.subi %sign3A_547, %sign3A_550 : i32
        %ne3A_552 = arith.cmpi ne, %sign3A_544, %sign3A_551 : i32
        %rem3A_553 = arith.remsi %add3A_535, %jit3A_536 : i32
        %ne3A_554 = arith.constant 0 : i32
        %ne3A_555 = arith.cmpi ne, %rem3A_553, %ne3A_554 : i32
        %and3A_556 = arith.andi %ne3A_552, %ne3A_555 : i1
        %sub3A_557 = arith.constant 1 : i32
        %sub3A_558 = arith.subi %div3A_537, %sub3A_557 : i32
        %select_n3A_559 = arith.select %and3A_556, %sub3A_558, %div3A_537 : i32
        %add3A_560 = arith.addi %mul3A_2, %select_n3A_559 : i32
        %jit3A_561 = arith.constant 16 : i32
        %eq3A_562 = arith.constant 0 : i32
        %eq3A_563 = arith.cmpi eq, %jit3A_561, %eq3A_562 : i32
        %jit3A_564 = arith.constant 1 : i32
        %select_n3A_565 = arith.select %eq3A_563, %jit3A_564, %jit3A_561 : i32
        %rem3A_566 = arith.remsi %add3A_535, %select_n3A_565 : i32
        %ne3A_567 = arith.constant 0 : i32
        %ne3A_568 = arith.cmpi ne, %rem3A_566, %ne3A_567 : i32
        %lt3A_569 = arith.constant 0 : i32
        %lt3A_570 = arith.cmpi slt, %rem3A_566, %lt3A_569 : i32
        %lt3A_571 = arith.constant 0 : i32
        %lt3A_572 = arith.cmpi slt, %select_n3A_565, %lt3A_571 : i32
        %ne3A_573 = arith.xori %lt3A_570, %lt3A_572 : i1
        %and3A_574 = arith.andi %ne3A_573, %ne3A_568 : i1
        %add3A_575 = arith.addi %rem3A_566, %select_n3A_565 : i32
        %select_n3A_576 = arith.select %and3A_574, %add3A_575, %rem3A_566 : i32
        %mul3A_577 = arith.constant 32 : i32
        %mul3A_578 = arith.muli %select_n3A_576, %mul3A_577 : i32
        %dma_start3A_579 = arith.constant 1 : i32
        %dma_start3A_580 = arith.constant 1 : i32
        %dma_start3A_581 = arith.constant 0 : i32
        %dma_start3A_582 = arith.constant 0 : i32
        %dma_start3A_583 = tpu.memref_slice %arg4[%dma_start3A_579, %dma_start3A_581, %dma_start3A_582] : memref<2x32x512xf32, #tpu.memory_space<vmem>> -> memref<1x32x512xf32, #tpu.memory_space<vmem>>
        %dma_start3A_584 = tpu.memref_squeeze %dma_start3A_583 : memref<1x32x512xf32, #tpu.memory_space<vmem>> -> memref<32x512xf32, #tpu.memory_space<vmem>>
        %dma_start3A_585 = arith.constant 0 : i32
        %dma_start3A_586 = tpu.memref_slice %arg2[%add3A_560, %mul3A_578, %dma_start3A_585] : memref<64x512x512xf32, #tpu.memory_space<hbm>> -> memref<1x32x512xf32, #tpu.memory_space<hbm>>
        %dma_start3A_587 = tpu.memref_squeeze %dma_start3A_586 : memref<1x32x512xf32, #tpu.memory_space<hbm>> -> memref<32x512xf32, #tpu.memory_space<hbm>>
        %dma_start3A_588 = tpu.memref_slice %arg7[%dma_start3A_580] : memref<2x!tpu.dma_semaphore, #tpu.memory_space<semaphore_mem>> -> memref<1x!tpu.dma_semaphore, #tpu.memory_space<semaphore_mem>>
        %dma_start3A_589 = tpu.memref_squeeze %dma_start3A_588 : memref<1x!tpu.dma_semaphore, #tpu.memory_space<semaphore_mem>> -> memref<!tpu.dma_semaphore, #tpu.memory_space<semaphore_mem>>
        %dma_start3A_590 = arith.constant 0 : i32
        %dma_start3A_591 = arith.constant 0 : i32
        %dma_start3A_592 = tpu.memref_slice %arg4[%dma_start3A_579, %dma_start3A_590, %dma_start3A_591] : memref<2x32x512xf32, #tpu.memory_space<vmem>> -> memref<1x32x512xf32, #tpu.memory_space<vmem>>
        %dma_start3A_593 = tpu.memref_squeeze %dma_start3A_592 : memref<1x32x512xf32, #tpu.memory_space<vmem>> -> memref<32x512xf32, #tpu.memory_space<vmem>>
        %dma_start3A_594 = arith.constant 0 : i32
        %dma_start3A_595 = tpu.memref_slice %arg2[%add3A_560, %mul3A_578, %dma_start3A_594] : memref<64x512x512xf32, #tpu.memory_space<hbm>> -> memref<1x32x512xf32, #tpu.memory_space<hbm>>
        %dma_start3A_596 = tpu.memref_squeeze %dma_start3A_595 : memref<1x32x512xf32, #tpu.memory_space<hbm>> -> memref<32x512xf32, #tpu.memory_space<hbm>>
        tpu.enqueue_dma source(%dma_start3A_596 : memref<32x512xf32, #tpu.memory_space<hbm>>) target(%dma_start3A_593 : memref<32x512xf32, #tpu.memory_space<vmem>>) target_semaphore(%dma_start3A_589 : memref<!tpu.dma_semaphore, #tpu.memory_space<semaphore_mem>>)
      } else {
      }
      %jit3A = arith.constant 16 : i32
      %div3A = arith.divsi %mul3A_127, %jit3A : i32
      %sign3A = arith.constant 0 : i32
      %sign3A_132 = arith.cmpi sgt, %mul3A_127, %sign3A : i32
      %sign3A_133 = arith.extui %sign3A_132 : i1 to i32
      %sign3A_134 = arith.constant 0 : i32
      %sign3A_135 = arith.cmpi slt, %mul3A_127, %sign3A_134 : i32
      %sign3A_136 = arith.extui %sign3A_135 : i1 to i32
      %sign3A_137 = arith.subi %sign3A_133, %sign3A_136 : i32
      %sign3A_138 = arith.constant 0 : i32
      %sign3A_139 = arith.cmpi sgt, %jit3A, %sign3A_138 : i32
      %sign3A_140 = arith.extui %sign3A_139 : i1 to i32
      %sign3A_141 = arith.constant 0 : i32
      %sign3A_142 = arith.cmpi slt, %jit3A, %sign3A_141 : i32
      %sign3A_143 = arith.extui %sign3A_142 : i1 to i32
      %sign3A_144 = arith.subi %sign3A_140, %sign3A_143 : i32
      %ne3A = arith.cmpi ne, %sign3A_137, %sign3A_144 : i32
      %rem3A = arith.remsi %mul3A_127, %jit3A : i32
      %ne3A_145 = arith.constant 0 : i32
      %ne3A_146 = arith.cmpi ne, %rem3A, %ne3A_145 : i32
      %and3A = arith.andi %ne3A, %ne3A_146 : i1
      %sub3A = arith.constant 1 : i32
      %sub3A_147 = arith.subi %div3A, %sub3A : i32
      %select_n3A = arith.select %and3A, %sub3A_147, %div3A : i32
      %add3A_148 = arith.addi %mul3A_2, %select_n3A : i32
      %jit3A_149 = arith.constant 16 : i32
      %eq3A = arith.constant 0 : i32
      %eq3A_150 = arith.cmpi eq, %jit3A_149, %eq3A : i32
      %jit3A_151 = arith.constant 1 : i32
      %select_n3A_152 = arith.select %eq3A_150, %jit3A_151, %jit3A_149 : i32
      %rem3A_153 = arith.remsi %mul3A_127, %select_n3A_152 : i32
      %ne3A_154 = arith.constant 0 : i32
      %ne3A_155 = arith.cmpi ne, %rem3A_153, %ne3A_154 : i32
      %lt3A_156 = arith.constant 0 : i32
      %lt3A_157 = arith.cmpi slt, %rem3A_153, %lt3A_156 : i32
      %lt3A_158 = arith.constant 0 : i32
      %lt3A_159 = arith.cmpi slt, %select_n3A_152, %lt3A_158 : i32
      %ne3A_160 = arith.xori %lt3A_157, %lt3A_159 : i1
      %and3A_161 = arith.andi %ne3A_160, %ne3A_155 : i1
      %add3A_162 = arith.addi %rem3A_153, %select_n3A_152 : i32
      %select_n3A_163 = arith.select %and3A_161, %add3A_162, %rem3A_153 : i32
      %mul3A_164 = arith.constant 32 : i32
      %mul3A_165 = arith.muli %select_n3A_163, %mul3A_164 : i32
      %dma_wait3A_166 = arith.constant 0 : i32
      %dma_wait3A_167 = arith.constant 0 : i32
      %dma_wait3A_168 = arith.constant 0 : i32
      %dma_wait3A_169 = arith.constant 0 : i32
      %dma_wait3A_170 = tpu.memref_slice %arg4[%dma_wait3A_166, %dma_wait3A_168, %dma_wait3A_169] : memref<2x32x512xf32, #tpu.memory_space<vmem>> -> memref<1x32x512xf32, #tpu.memory_space<vmem>>
      %dma_wait3A_171 = tpu.memref_squeeze %dma_wait3A_170 : memref<1x32x512xf32, #tpu.memory_space<vmem>> -> memref<32x512xf32, #tpu.memory_space<vmem>>
      %dma_wait3A_172 = arith.constant 0 : i32
      %dma_wait3A_173 = tpu.memref_slice %arg2[%add3A_148, %mul3A_165, %dma_wait3A_172] : memref<64x512x512xf32, #tpu.memory_space<hbm>> -> memref<1x32x512xf32, #tpu.memory_space<hbm>>
      %dma_wait3A_174 = tpu.memref_squeeze %dma_wait3A_173 : memref<1x32x512xf32, #tpu.memory_space<hbm>> -> memref<32x512xf32, #tpu.memory_space<hbm>>
      %dma_wait3A_175 = tpu.memref_slice %arg7[%dma_wait3A_167] : memref<2x!tpu.dma_semaphore, #tpu.memory_space<semaphore_mem>> -> memref<1x!tpu.dma_semaphore, #tpu.memory_space<semaphore_mem>>
      %dma_wait3A_176 = tpu.memref_squeeze %dma_wait3A_175 : memref<1x!tpu.dma_semaphore, #tpu.memory_space<semaphore_mem>> -> memref<!tpu.dma_semaphore, #tpu.memory_space<semaphore_mem>>
      %dma_wait3A_177 = arith.constant 0 : i32
      %dma_wait3A_178 = arith.constant 0 : i32
      %dma_wait3A_179 = tpu.memref_slice %arg4[%dma_wait3A_166, %dma_wait3A_177, %dma_wait3A_178] : memref<2x32x512xf32, #tpu.memory_space<vmem>> -> memref<1x32x512xf32, #tpu.memory_space<vmem>>
      %dma_wait3A_180 = tpu.memref_squeeze %dma_wait3A_179 : memref<1x32x512xf32, #tpu.memory_space<vmem>> -> memref<32x512xf32, #tpu.memory_space<vmem>>
      %dma_wait3A_181 = arith.constant 0 : i32
      %dma_wait3A_182 = tpu.memref_slice %arg2[%add3A_148, %mul3A_165, %dma_wait3A_181] : memref<64x512x512xf32, #tpu.memory_space<hbm>> -> memref<1x32x512xf32, #tpu.memory_space<hbm>>
      %dma_wait3A_183 = tpu.memref_squeeze %dma_wait3A_182 : memref<1x32x512xf32, #tpu.memory_space<hbm>> -> memref<32x512xf32, #tpu.memory_space<hbm>>
      tpu.wait_dma2 semaphore(%dma_wait3A_176 : memref<!tpu.dma_semaphore, #tpu.memory_space<semaphore_mem>>) src(%dma_wait3A_183 : memref<32x512xf32, #tpu.memory_space<hbm>>) dst(%dma_wait3A_180 : memref<32x512xf32, #tpu.memory_space<vmem>>)
      %ge3A = arith.constant 2 : i32
      %ge3A_184 = arith.cmpi sge, %mul3A_127, %ge3A : i32
      %convert_element_type3A_185 = arith.extui %ge3A_184 : i1 to i32
      %cond3A_186 = arith.constant 0 : i32
      %cond3A_187 = arith.cmpi ne, %convert_element_type3A_185, %cond3A_186 : i32
      scf.if %cond3A_187 {
        %sub3A_534 = arith.constant 2 : i32
        %sub3A_535 = arith.subi %mul3A_127, %sub3A_534 : i32
        %jit3A_536 = arith.constant 16 : i32
        %div3A_537 = arith.divsi %sub3A_535, %jit3A_536 : i32
        %sign3A_538 = arith.constant 0 : i32
        %sign3A_539 = arith.cmpi sgt, %sub3A_535, %sign3A_538 : i32
        %sign3A_540 = arith.extui %sign3A_539 : i1 to i32
        %sign3A_541 = arith.constant 0 : i32
        %sign3A_542 = arith.cmpi slt, %sub3A_535, %sign3A_541 : i32
        %sign3A_543 = arith.extui %sign3A_542 : i1 to i32
        %sign3A_544 = arith.subi %sign3A_540, %sign3A_543 : i32
        %sign3A_545 = arith.constant 0 : i32
        %sign3A_546 = arith.cmpi sgt, %jit3A_536, %sign3A_545 : i32
        %sign3A_547 = arith.extui %sign3A_546 : i1 to i32
        %sign3A_548 = arith.constant 0 : i32
        %sign3A_549 = arith.cmpi slt, %jit3A_536, %sign3A_548 : i32
        %sign3A_550 = arith.extui %sign3A_549 : i1 to i32
        %sign3A_551 = arith.subi %sign3A_547, %sign3A_550 : i32
        %ne3A_552 = arith.cmpi ne, %sign3A_544, %sign3A_551 : i32
        %rem3A_553 = arith.remsi %sub3A_535, %jit3A_536 : i32
        %ne3A_554 = arith.constant 0 : i32
        %ne3A_555 = arith.cmpi ne, %rem3A_553, %ne3A_554 : i32
        %and3A_556 = arith.andi %ne3A_552, %ne3A_555 : i1
        %sub3A_557 = arith.constant 1 : i32
        %sub3A_558 = arith.subi %div3A_537, %sub3A_557 : i32
        %select_n3A_559 = arith.select %and3A_556, %sub3A_558, %div3A_537 : i32
        %add3A_560 = arith.addi %mul3A_2, %select_n3A_559 : i32
        %jit3A_561 = arith.constant 16 : i32
        %eq3A_562 = arith.constant 0 : i32
        %eq3A_563 = arith.cmpi eq, %jit3A_561, %eq3A_562 : i32
        %jit3A_564 = arith.constant 1 : i32
        %select_n3A_565 = arith.select %eq3A_563, %jit3A_564, %jit3A_561 : i32
        %rem3A_566 = arith.remsi %sub3A_535, %select_n3A_565 : i32
        %ne3A_567 = arith.constant 0 : i32
        %ne3A_568 = arith.cmpi ne, %rem3A_566, %ne3A_567 : i32
        %lt3A_569 = arith.constant 0 : i32
        %lt3A_570 = arith.cmpi slt, %rem3A_566, %lt3A_569 : i32
        %lt3A_571 = arith.constant 0 : i32
        %lt3A_572 = arith.cmpi slt, %select_n3A_565, %lt3A_571 : i32
        %ne3A_573 = arith.xori %lt3A_570, %lt3A_572 : i1
        %and3A_574 = arith.andi %ne3A_573, %ne3A_568 : i1
        %add3A_575 = arith.addi %rem3A_566, %select_n3A_565 : i32
        %select_n3A_576 = arith.select %and3A_574, %add3A_575, %rem3A_566 : i32
        %mul3A_577 = arith.constant 32 : i32
        %mul3A_578 = arith.muli %select_n3A_576, %mul3A_577 : i32
        %dma_wait3A_579 = arith.constant 0 : i32
        %dma_wait3A_580 = arith.constant 0 : i32
        %dma_wait3A_581 = arith.constant 0 : i32
        %dma_wait3A_582 = arith.constant 0 : i32
        %dma_wait3A_583 = arith.constant 0 : i32
        %dma_wait3A_584 = tpu.memref_slice %arg5[%dma_wait3A_579, %dma_wait3A_582, %dma_wait3A_583] : memref<2x32x512xf32, #tpu.memory_space<vmem>> -> memref<1x32x512xf32, #tpu.memory_space<vmem>>
        %dma_wait3A_585 = tpu.memref_squeeze %dma_wait3A_584 : memref<1x32x512xf32, #tpu.memory_space<vmem>> -> memref<32x512xf32, #tpu.memory_space<vmem>>
        %dma_wait3A_586 = arith.constant 0 : i32
        %dma_wait3A_587 = tpu.memref_slice %arg3[%add3A_560, %dma_wait3A_580, %mul3A_578, %dma_wait3A_586] : memref<64x2x512x512xf32, #tpu.memory_space<hbm>> -> memref<1x1x32x512xf32, #tpu.memory_space<hbm>>
        %dma_wait3A_588 = tpu.memref_squeeze %dma_wait3A_587 : memref<1x1x32x512xf32, #tpu.memory_space<hbm>> -> memref<32x512xf32, #tpu.memory_space<hbm>>
        %dma_wait3A_589 = tpu.memref_slice %arg8[%dma_wait3A_581] : memref<2x!tpu.dma_semaphore, #tpu.memory_space<semaphore_mem>> -> memref<1x!tpu.dma_semaphore, #tpu.memory_space<semaphore_mem>>
        %dma_wait3A_590 = tpu.memref_squeeze %dma_wait3A_589 : memref<1x!tpu.dma_semaphore, #tpu.memory_space<semaphore_mem>> -> memref<!tpu.dma_semaphore, #tpu.memory_space<semaphore_mem>>
        %dma_wait3A_591 = arith.constant 0 : i32
        %dma_wait3A_592 = tpu.memref_slice %arg3[%add3A_560, %dma_wait3A_580, %mul3A_578, %dma_wait3A_591] : memref<64x2x512x512xf32, #tpu.memory_space<hbm>> -> memref<1x1x32x512xf32, #tpu.memory_space<hbm>>
        %dma_wait3A_593 = tpu.memref_squeeze %dma_wait3A_592 : memref<1x1x32x512xf32, #tpu.memory_space<hbm>> -> memref<32x512xf32, #tpu.memory_space<hbm>>
        %dma_wait3A_594 = arith.constant 0 : i32
        %dma_wait3A_595 = arith.constant 0 : i32
        %dma_wait3A_596 = tpu.memref_slice %arg5[%dma_wait3A_579, %dma_wait3A_594, %dma_wait3A_595] : memref<2x32x512xf32, #tpu.memory_space<vmem>> -> memref<1x32x512xf32, #tpu.memory_space<vmem>>
        %dma_wait3A_597 = tpu.memref_squeeze %dma_wait3A_596 : memref<1x32x512xf32, #tpu.memory_space<vmem>> -> memref<32x512xf32, #tpu.memory_space<vmem>>
        tpu.wait_dma2 semaphore(%dma_wait3A_590 : memref<!tpu.dma_semaphore, #tpu.memory_space<semaphore_mem>>) src(%dma_wait3A_597 : memref<32x512xf32, #tpu.memory_space<vmem>>) dst(%dma_wait3A_593 : memref<32x512xf32, #tpu.memory_space<hbm>>)
        %sub3A_598 = arith.constant 2 : i32
        %sub3A_599 = arith.subi %mul3A_127, %sub3A_598 : i32
        %jit3A_600 = arith.constant 16 : i32
        %div3A_601 = arith.divsi %sub3A_599, %jit3A_600 : i32
        %sign3A_602 = arith.constant 0 : i32
        %sign3A_603 = arith.cmpi sgt, %sub3A_599, %sign3A_602 : i32
        %sign3A_604 = arith.extui %sign3A_603 : i1 to i32
        %sign3A_605 = arith.constant 0 : i32
        %sign3A_606 = arith.cmpi slt, %sub3A_599, %sign3A_605 : i32
        %sign3A_607 = arith.extui %sign3A_606 : i1 to i32
        %sign3A_608 = arith.subi %sign3A_604, %sign3A_607 : i32
        %sign3A_609 = arith.constant 0 : i32
        %sign3A_610 = arith.cmpi sgt, %jit3A_600, %sign3A_609 : i32
        %sign3A_611 = arith.extui %sign3A_610 : i1 to i32
        %sign3A_612 = arith.constant 0 : i32
        %sign3A_613 = arith.cmpi slt, %jit3A_600, %sign3A_612 : i32
        %sign3A_614 = arith.extui %sign3A_613 : i1 to i32
        %sign3A_615 = arith.subi %sign3A_611, %sign3A_614 : i32
        %ne3A_616 = arith.cmpi ne, %sign3A_608, %sign3A_615 : i32
        %rem3A_617 = arith.remsi %sub3A_599, %jit3A_600 : i32
        %ne3A_618 = arith.constant 0 : i32
        %ne3A_619 = arith.cmpi ne, %rem3A_617, %ne3A_618 : i32
        %and3A_620 = arith.andi %ne3A_616, %ne3A_619 : i1
        %sub3A_621 = arith.constant 1 : i32
        %sub3A_622 = arith.subi %div3A_601, %sub3A_621 : i32
        %select_n3A_623 = arith.select %and3A_620, %sub3A_622, %div3A_601 : i32
        %add3A_624 = arith.addi %mul3A_2, %select_n3A_623 : i32
        %jit3A_625 = arith.constant 16 : i32
        %eq3A_626 = arith.constant 0 : i32
        %eq3A_627 = arith.cmpi eq, %jit3A_625, %eq3A_626 : i32
        %jit3A_628 = arith.constant 1 : i32
        %select_n3A_629 = arith.select %eq3A_627, %jit3A_628, %jit3A_625 : i32
        %rem3A_630 = arith.remsi %sub3A_599, %select_n3A_629 : i32
        %ne3A_631 = arith.constant 0 : i32
        %ne3A_632 = arith.cmpi ne, %rem3A_630, %ne3A_631 : i32
        %lt3A_633 = arith.constant 0 : i32
        %lt3A_634 = arith.cmpi slt, %rem3A_630, %lt3A_633 : i32
        %lt3A_635 = arith.constant 0 : i32
        %lt3A_636 = arith.cmpi slt, %select_n3A_629, %lt3A_635 : i32
        %ne3A_637 = arith.xori %lt3A_634, %lt3A_636 : i1
        %and3A_638 = arith.andi %ne3A_637, %ne3A_632 : i1
        %add3A_639 = arith.addi %rem3A_630, %select_n3A_629 : i32
        %select_n3A_640 = arith.select %and3A_638, %add3A_639, %rem3A_630 : i32
        %mul3A_641 = arith.constant 32 : i32
        %mul3A_642 = arith.muli %select_n3A_640, %mul3A_641 : i32
        %dma_wait3A_643 = arith.constant 0 : i32
        %dma_wait3A_644 = arith.constant 1 : i32
        %dma_wait3A_645 = arith.constant 0 : i32
        %dma_wait3A_646 = arith.constant 0 : i32
        %dma_wait3A_647 = arith.constant 0 : i32
        %dma_wait3A_648 = tpu.memref_slice %arg6[%dma_wait3A_643, %dma_wait3A_646, %dma_wait3A_647] : memref<2x32x512xf32, #tpu.memory_space<vmem>> -> memref<1x32x512xf32, #tpu.memory_space<vmem>>
        %dma_wait3A_649 = tpu.memref_squeeze %dma_wait3A_648 : memref<1x32x512xf32, #tpu.memory_space<vmem>> -> memref<32x512xf32, #tpu.memory_space<vmem>>
        %dma_wait3A_650 = arith.constant 0 : i32
        %dma_wait3A_651 = tpu.memref_slice %arg3[%add3A_624, %dma_wait3A_644, %mul3A_642, %dma_wait3A_650] : memref<64x2x512x512xf32, #tpu.memory_space<hbm>> -> memref<1x1x32x512xf32, #tpu.memory_space<hbm>>
        %dma_wait3A_652 = tpu.memref_squeeze %dma_wait3A_651 : memref<1x1x32x512xf32, #tpu.memory_space<hbm>> -> memref<32x512xf32, #tpu.memory_space<hbm>>
        %dma_wait3A_653 = tpu.memref_slice %arg9[%dma_wait3A_645] : memref<2x!tpu.dma_semaphore, #tpu.memory_space<semaphore_mem>> -> memref<1x!tpu.dma_semaphore, #tpu.memory_space<semaphore_mem>>
        %dma_wait3A_654 = tpu.memref_squeeze %dma_wait3A_653 : memref<1x!tpu.dma_semaphore, #tpu.memory_space<semaphore_mem>> -> memref<!tpu.dma_semaphore, #tpu.memory_space<semaphore_mem>>
        %dma_wait3A_655 = arith.constant 0 : i32
        %dma_wait3A_656 = tpu.memref_slice %arg3[%add3A_624, %dma_wait3A_644, %mul3A_642, %dma_wait3A_655] : memref<64x2x512x512xf32, #tpu.memory_space<hbm>> -> memref<1x1x32x512xf32, #tpu.memory_space<hbm>>
        %dma_wait3A_657 = tpu.memref_squeeze %dma_wait3A_656 : memref<1x1x32x512xf32, #tpu.memory_space<hbm>> -> memref<32x512xf32, #tpu.memory_space<hbm>>
        %dma_wait3A_658 = arith.constant 0 : i32
        %dma_wait3A_659 = arith.constant 0 : i32
        %dma_wait3A_660 = tpu.memref_slice %arg6[%dma_wait3A_643, %dma_wait3A_658, %dma_wait3A_659] : memref<2x32x512xf32, #tpu.memory_space<vmem>> -> memref<1x32x512xf32, #tpu.memory_space<vmem>>
        %dma_wait3A_661 = tpu.memref_squeeze %dma_wait3A_660 : memref<1x32x512xf32, #tpu.memory_space<vmem>> -> memref<32x512xf32, #tpu.memory_space<vmem>>
        tpu.wait_dma2 semaphore(%dma_wait3A_654 : memref<!tpu.dma_semaphore, #tpu.memory_space<semaphore_mem>>) src(%dma_wait3A_661 : memref<32x512xf32, #tpu.memory_space<vmem>>) dst(%dma_wait3A_657 : memref<32x512xf32, #tpu.memory_space<hbm>>)
      } else {
      }
      %scan3A_188 = arith.constant 0 : i32
      %scan3A_189 = arith.constant 0 : i32
      %scan3A_190 = arith.constant 0 : i32
      %scan3A_191 = arith.constant 0 : i32
      %scan3A_192 = arith.constant 0 : i32
      %scan3A_193 = arith.constant 32 : i32
      %scan3A_194 = arith.addi %scan3A_192, %scan3A_193 : i32
      %scan3A_195 = arith.constant 1 : i32
      %scan3A_196 = scf.for %scan3A_534 = %scan3A_192 to %scan3A_194 step %scan3A_195 iter_args(%scan3A_535 = %scan3A_191) -> (i32)  : i32 {
        %parallel_loop3A = arith.constant 0 : i32
        %parallel_loop3A_536 = arith.constant 32 : i32
        %parallel_loop3A_537 = arith.constant 1 : i32
        scf.for %parallel_loop3A_539 = %parallel_loop3A to %parallel_loop3A_536 step %parallel_loop3A_537  : i32 {
          %parallel_loop3A_540 = arith.constant 16 : i32
          %parallel_loop3A_541 = arith.muli %parallel_loop3A_539, %parallel_loop3A_540 : i32
          %parallel_loop3A_542 = arith.constant 0 : i32
          %parallel_loop3A_543 = arith.constant 0 : i32
          %parallel_loop3A_544 = tpu.memref_slice %arg4[%scan3A_188, %parallel_loop3A_542, %parallel_loop3A_543] : memref<2x32x512xf32, #tpu.memory_space<vmem>> -> memref<1x32x512xf32, #tpu.memory_space<vmem>>
          %parallel_loop3A_545 = tpu.memref_squeeze %parallel_loop3A_544 : memref<1x32x512xf32, #tpu.memory_space<vmem>> -> memref<32x512xf32, #tpu.memory_space<vmem>>
          %parallel_loop3A_546 = arith.index_cast %scan3A_534 : i32 to index
          %parallel_loop3A_547 = arith.index_cast %parallel_loop3A_541 : i32 to index
          %parallel_loop3A_548 = tpu.vector_load %parallel_loop3A_545[%parallel_loop3A_546, %parallel_loop3A_547] {strides = array<i32>} : memref<32x512xf32, #tpu.memory_space<vmem>>, vector<1x16xf32>,
          %parallel_loop3A_549 = vector.shape_cast %parallel_loop3A_548 : vector<1x16xf32> to vector<16xf32>
          %parallel_loop3A_550 = arith.constant 0.000000e+00 : f32
          %parallel_loop3A_551 = vector.broadcast %parallel_loop3A_550 : f32 to vector<16xf32>
          %parallel_loop3A_552 = arith.cmpf ogt, %parallel_loop3A_549, %parallel_loop3A_551 : vector<16xf32>
          %parallel_loop3A_553 = arith.select %parallel_loop3A_552, %broadcast_in_dim3A_3, %broadcast_in_dim3A_5 : vector<16xi1>, vector<16xf32>
          %parallel_loop3A_554 = arith.constant 16 : i32
          %parallel_loop3A_555 = arith.muli %parallel_loop3A_539, %parallel_loop3A_554 : i32
          %parallel_loop3A_556 = arith.constant 0 : i32
          %parallel_loop3A_557 = arith.constant 0 : i32
          %parallel_loop3A_558 = tpu.memref_slice %arg5[%scan3A_189, %parallel_loop3A_556, %parallel_loop3A_557] : memref<2x32x512xf32, #tpu.memory_space<vmem>> -> memref<1x32x512xf32, #tpu.memory_space<vmem>>
          %parallel_loop3A_559 = tpu.memref_squeeze %parallel_loop3A_558 : memref<1x32x512xf32, #tpu.memory_space<vmem>> -> memref<32x512xf32, #tpu.memory_space<vmem>>
          %parallel_loop3A_560 = arith.index_cast %scan3A_534 : i32 to index
          %parallel_loop3A_561 = arith.index_cast %parallel_loop3A_555 : i32 to index
          %parallel_loop3A_562 = tpu.vector_load %parallel_loop3A_559[%parallel_loop3A_560, %parallel_loop3A_561] {strides = array<i32>} : memref<32x512xf32, #tpu.memory_space<vmem>>, vector<1x16xf32>,
          %parallel_loop3A_563 = vector.shape_cast %parallel_loop3A_562 : vector<1x16xf32> to vector<16xf32>
          %parallel_loop3A_564 = vector.shape_cast %parallel_loop3A_553 : vector<16xf32> to vector<1x16xf32>
          tpu.vector_store %parallel_loop3A_559[%parallel_loop3A_560, %parallel_loop3A_561], %parallel_loop3A_564 {strides = array<i32>} : memref<32x512xf32, #tpu.memory_space<vmem>>, vector<1x16xf32>,
          %parallel_loop3A_565 = arith.constant 0.000000e+00 : f32
          %parallel_loop3A_566 = vector.broadcast %parallel_loop3A_565 : f32 to vector<16xf32>
          %parallel_loop3A_567 = arith.cmpf oeq, %parallel_loop3A_549, %parallel_loop3A_566 : vector<16xf32>
          %parallel_loop3A_568 = arith.constant 2.500000e-01 : f32
          %parallel_loop3A_569 = vector.broadcast %parallel_loop3A_568 : f32 to vector<16xf32>
          %parallel_loop3A_570 = arith.cmpf oeq, %parallel_loop3A_549, %parallel_loop3A_569 : vector<16xf32>
          %parallel_loop3A_571 = arith.ori %parallel_loop3A_567, %parallel_loop3A_570 : vector<16xi1>
          %parallel_loop3A_572 = arith.select %parallel_loop3A_571, %broadcast_in_dim3A_3, %broadcast_in_dim3A_5 : vector<16xi1>, vector<16xf32>
          %parallel_loop3A_573 = arith.constant 16 : i32
          %parallel_loop3A_574 = arith.muli %parallel_loop3A_539, %parallel_loop3A_573 : i32
          %parallel_loop3A_575 = arith.constant 0 : i32
          %parallel_loop3A_576 = arith.constant 0 : i32
          %parallel_loop3A_577 = tpu.memref_slice %arg6[%scan3A_190, %parallel_loop3A_575, %parallel_loop3A_576] : memref<2x32x512xf32, #tpu.memory_space<vmem>> -> memref<1x32x512xf32, #tpu.memory_space<vmem>>
          %parallel_loop3A_578 = tpu.memref_squeeze %parallel_loop3A_577 : memref<1x32x512xf32, #tpu.memory_space<vmem>> -> memref<32x512xf32, #tpu.memory_space<vmem>>
          %parallel_loop3A_579 = arith.index_cast %scan3A_534 : i32 to index
          %parallel_loop3A_580 = arith.index_cast %parallel_loop3A_574 : i32 to index
          %parallel_loop3A_581 = tpu.vector_load %parallel_loop3A_578[%parallel_loop3A_579, %parallel_loop3A_580] {strides = array<i32>} : memref<32x512xf32, #tpu.memory_space<vmem>>, vector<1x16xf32>,
          %parallel_loop3A_582 = vector.shape_cast %parallel_loop3A_581 : vector<1x16xf32> to vector<16xf32>
          %parallel_loop3A_583 = vector.shape_cast %parallel_loop3A_572 : vector<16xf32> to vector<1x16xf32>
          tpu.vector_store %parallel_loop3A_578[%parallel_loop3A_579, %parallel_loop3A_580], %parallel_loop3A_583 {strides = array<i32>} : memref<32x512xf32, #tpu.memory_space<vmem>>, vector<1x16xf32>,
        } {sc.loop_unroll_factor = 8 : i64, sc.parallel_access}
        %scan3A_538 = arith.constant 0 : i32
        scf.yield %scan3A_538 : i32
      }
      %scan3A_197 = arith.constant 32 : i32
      %jit3A_198 = arith.constant 16 : i32
      %div3A_199 = arith.divsi %mul3A_127, %jit3A_198 : i32
      %sign3A_200 = arith.constant 0 : i32
      %sign3A_201 = arith.cmpi sgt, %mul3A_127, %sign3A_200 : i32
      %sign3A_202 = arith.extui %sign3A_201 : i1 to i32
      %sign3A_203 = arith.constant 0 : i32
      %sign3A_204 = arith.cmpi slt, %mul3A_127, %sign3A_203 : i32
      %sign3A_205 = arith.extui %sign3A_204 : i1 to i32
      %sign3A_206 = arith.subi %sign3A_202, %sign3A_205 : i32
      %sign3A_207 = arith.constant 0 : i32
      %sign3A_208 = arith.cmpi sgt, %jit3A_198, %sign3A_207 : i32
      %sign3A_209 = arith.extui %sign3A_208 : i1 to i32
      %sign3A_210 = arith.constant 0 : i32
      %sign3A_211 = arith.cmpi slt, %jit3A_198, %sign3A_210 : i32
      %sign3A_212 = arith.extui %sign3A_211 : i1 to i32
      %sign3A_213 = arith.subi %sign3A_209, %sign3A_212 : i32
      %ne3A_214 = arith.cmpi ne, %sign3A_206, %sign3A_213 : i32
      %rem3A_215 = arith.remsi %mul3A_127, %jit3A_198 : i32
      %ne3A_216 = arith.constant 0 : i32
      %ne3A_217 = arith.cmpi ne, %rem3A_215, %ne3A_216 : i32
      %and3A_218 = arith.andi %ne3A_214, %ne3A_217 : i1
      %sub3A_219 = arith.constant 1 : i32
      %sub3A_220 = arith.subi %div3A_199, %sub3A_219 : i32
      %select_n3A_221 = arith.select %and3A_218, %sub3A_220, %div3A_199 : i32
      %add3A_222 = arith.addi %mul3A_2, %select_n3A_221 : i32
      %jit3A_223 = arith.constant 16 : i32
      %eq3A_224 = arith.constant 0 : i32
      %eq3A_225 = arith.cmpi eq, %jit3A_223, %eq3A_224 : i32
      %jit3A_226 = arith.constant 1 : i32
      %select_n3A_227 = arith.select %eq3A_225, %jit3A_226, %jit3A_223 : i32
      %rem3A_228 = arith.remsi %mul3A_127, %select_n3A_227 : i32
      %ne3A_229 = arith.constant 0 : i32
      %ne3A_230 = arith.cmpi ne, %rem3A_228, %ne3A_229 : i32
      %lt3A_231 = arith.constant 0 : i32
      %lt3A_232 = arith.cmpi slt, %rem3A_228, %lt3A_231 : i32
      %lt3A_233 = arith.constant 0 : i32
      %lt3A_234 = arith.cmpi slt, %select_n3A_227, %lt3A_233 : i32
      %ne3A_235 = arith.xori %lt3A_232, %lt3A_234 : i1
      %and3A_236 = arith.andi %ne3A_235, %ne3A_230 : i1
      %add3A_237 = arith.addi %rem3A_228, %select_n3A_227 : i32
      %select_n3A_238 = arith.select %and3A_236, %add3A_237, %rem3A_228 : i32
      %mul3A_239 = arith.constant 32 : i32
      %mul3A_240 = arith.muli %select_n3A_238, %mul3A_239 : i32
      %dma_start3A_241 = arith.constant 0 : i32
      %dma_start3A_242 = arith.constant 0 : i32
      %dma_start3A_243 = arith.constant 0 : i32
      %dma_start3A_244 = arith.constant 0 : i32
      %dma_start3A_245 = arith.constant 0 : i32
      %dma_start3A_246 = tpu.memref_slice %arg5[%dma_start3A_241, %dma_start3A_244, %dma_start3A_245] : memref<2x32x512xf32, #tpu.memory_space<vmem>> -> memref<1x32x512xf32, #tpu.memory_space<vmem>>
      %dma_start3A_247 = tpu.memref_squeeze %dma_start3A_246 : memref<1x32x512xf32, #tpu.memory_space<vmem>> -> memref<32x512xf32, #tpu.memory_space<vmem>>
      %dma_start3A_248 = arith.constant 0 : i32
      %dma_start3A_249 = tpu.memref_slice %arg3[%add3A_222, %dma_start3A_242, %mul3A_240, %dma_start3A_248] : memref<64x2x512x512xf32, #tpu.memory_space<hbm>> -> memref<1x1x32x512xf32, #tpu.memory_space<hbm>>
      %dma_start3A_250 = tpu.memref_squeeze %dma_start3A_249 : memref<1x1x32x512xf32, #tpu.memory_space<hbm>> -> memref<32x512xf32, #tpu.memory_space<hbm>>
      %dma_start3A_251 = tpu.memref_slice %arg8[%dma_start3A_243] : memref<2x!tpu.dma_semaphore, #tpu.memory_space<semaphore_mem>> -> memref<1x!tpu.dma_semaphore, #tpu.memory_space<semaphore_mem>>
      %dma_start3A_252 = tpu.memref_squeeze %dma_start3A_251 : memref<1x!tpu.dma_semaphore, #tpu.memory_space<semaphore_mem>> -> memref<!tpu.dma_semaphore, #tpu.memory_space<semaphore_mem>>
      %dma_start3A_253 = arith.constant 0 : i32
      %dma_start3A_254 = tpu.memref_slice %arg3[%add3A_222, %dma_start3A_242, %mul3A_240, %dma_start3A_253] : memref<64x2x512x512xf32, #tpu.memory_space<hbm>> -> memref<1x1x32x512xf32, #tpu.memory_space<hbm>>
      %dma_start3A_255 = tpu.memref_squeeze %dma_start3A_254 : memref<1x1x32x512xf32, #tpu.memory_space<hbm>> -> memref<32x512xf32, #tpu.memory_space<hbm>>
      %dma_start3A_256 = arith.constant 0 : i32
      %dma_start3A_257 = arith.constant 0 : i32
      %dma_start3A_258 = tpu.memref_slice %arg5[%dma_start3A_241, %dma_start3A_256, %dma_start3A_257] : memref<2x32x512xf32, #tpu.memory_space<vmem>> -> memref<1x32x512xf32, #tpu.memory_space<vmem>>
      %dma_start3A_259 = tpu.memref_squeeze %dma_start3A_258 : memref<1x32x512xf32, #tpu.memory_space<vmem>> -> memref<32x512xf32, #tpu.memory_space<vmem>>
      tpu.enqueue_dma source(%dma_start3A_259 : memref<32x512xf32, #tpu.memory_space<vmem>>) target(%dma_start3A_255 : memref<32x512xf32, #tpu.memory_space<hbm>>) target_semaphore(%dma_start3A_252 : memref<!tpu.dma_semaphore, #tpu.memory_space<semaphore_mem>>)
      %jit3A_260 = arith.constant 16 : i32
      %div3A_261 = arith.divsi %mul3A_127, %jit3A_260 : i32
      %sign3A_262 = arith.constant 0 : i32
      %sign3A_263 = arith.cmpi sgt, %mul3A_127, %sign3A_262 : i32
      %sign3A_264 = arith.extui %sign3A_263 : i1 to i32
      %sign3A_265 = arith.constant 0 : i32
      %sign3A_266 = arith.cmpi slt, %mul3A_127, %sign3A_265 : i32
      %sign3A_267 = arith.extui %sign3A_266 : i1 to i32
      %sign3A_268 = arith.subi %sign3A_264, %sign3A_267 : i32
      %sign3A_269 = arith.constant 0 : i32
      %sign3A_270 = arith.cmpi sgt, %jit3A_260, %sign3A_269 : i32
      %sign3A_271 = arith.extui %sign3A_270 : i1 to i32
      %sign3A_272 = arith.constant 0 : i32
      %sign3A_273 = arith.cmpi slt, %jit3A_260, %sign3A_272 : i32
      %sign3A_274 = arith.extui %sign3A_273 : i1 to i32
      %sign3A_275 = arith.subi %sign3A_271, %sign3A_274 : i32
      %ne3A_276 = arith.cmpi ne, %sign3A_268, %sign3A_275 : i32
      %rem3A_277 = arith.remsi %mul3A_127, %jit3A_260 : i32
      %ne3A_278 = arith.constant 0 : i32
      %ne3A_279 = arith.cmpi ne, %rem3A_277, %ne3A_278 : i32
      %and3A_280 = arith.andi %ne3A_276, %ne3A_279 : i1
      %sub3A_281 = arith.constant 1 : i32
      %sub3A_282 = arith.subi %div3A_261, %sub3A_281 : i32
      %select_n3A_283 = arith.select %and3A_280, %sub3A_282, %div3A_261 : i32
      %add3A_284 = arith.addi %mul3A_2, %select_n3A_283 : i32
      %jit3A_285 = arith.constant 16 : i32
      %eq3A_286 = arith.constant 0 : i32
      %eq3A_287 = arith.cmpi eq, %jit3A_285, %eq3A_286 : i32
      %jit3A_288 = arith.constant 1 : i32
      %select_n3A_289 = arith.select %eq3A_287, %jit3A_288, %jit3A_285 : i32
      %rem3A_290 = arith.remsi %mul3A_127, %select_n3A_289 : i32
      %ne3A_291 = arith.constant 0 : i32
      %ne3A_292 = arith.cmpi ne, %rem3A_290, %ne3A_291 : i32
      %lt3A_293 = arith.constant 0 : i32
      %lt3A_294 = arith.cmpi slt, %rem3A_290, %lt3A_293 : i32
      %lt3A_295 = arith.constant 0 : i32
      %lt3A_296 = arith.cmpi slt, %select_n3A_289, %lt3A_295 : i32
      %ne3A_297 = arith.xori %lt3A_294, %lt3A_296 : i1
      %and3A_298 = arith.andi %ne3A_297, %ne3A_292 : i1
      %add3A_299 = arith.addi %rem3A_290, %select_n3A_289 : i32
      %select_n3A_300 = arith.select %and3A_298, %add3A_299, %rem3A_290 : i32
      %mul3A_301 = arith.constant 32 : i32
      %mul3A_302 = arith.muli %select_n3A_300, %mul3A_301 : i32
      %dma_start3A_303 = arith.constant 0 : i32
      %dma_start3A_304 = arith.constant 1 : i32
      %dma_start3A_305 = arith.constant 0 : i32
      %dma_start3A_306 = arith.constant 0 : i32
      %dma_start3A_307 = arith.constant 0 : i32
      %dma_start3A_308 = tpu.memref_slice %arg6[%dma_start3A_303, %dma_start3A_306, %dma_start3A_307] : memref<2x32x512xf32, #tpu.memory_space<vmem>> -> memref<1x32x512xf32, #tpu.memory_space<vmem>>
      %dma_start3A_309 = tpu.memref_squeeze %dma_start3A_308 : memref<1x32x512xf32, #tpu.memory_space<vmem>> -> memref<32x512xf32, #tpu.memory_space<vmem>>
      %dma_start3A_310 = arith.constant 0 : i32
      %dma_start3A_311 = tpu.memref_slice %arg3[%add3A_284, %dma_start3A_304, %mul3A_302, %dma_start3A_310] : memref<64x2x512x512xf32, #tpu.memory_space<hbm>> -> memref<1x1x32x512xf32, #tpu.memory_space<hbm>>
      %dma_start3A_312 = tpu.memref_squeeze %dma_start3A_311 : memref<1x1x32x512xf32, #tpu.memory_space<hbm>> -> memref<32x512xf32, #tpu.memory_space<hbm>>
      %dma_start3A_313 = tpu.memref_slice %arg9[%dma_start3A_305] : memref<2x!tpu.dma_semaphore, #tpu.memory_space<semaphore_mem>> -> memref<1x!tpu.dma_semaphore, #tpu.memory_space<semaphore_mem>>
      %dma_start3A_314 = tpu.memref_squeeze %dma_start3A_313 : memref<1x!tpu.dma_semaphore, #tpu.memory_space<semaphore_mem>> -> memref<!tpu.dma_semaphore, #tpu.memory_space<semaphore_mem>>
      %dma_start3A_315 = arith.constant 0 : i32
      %dma_start3A_316 = tpu.memref_slice %arg3[%add3A_284, %dma_start3A_304, %mul3A_302, %dma_start3A_315] : memref<64x2x512x512xf32, #tpu.memory_space<hbm>> -> memref<1x1x32x512xf32, #tpu.memory_space<hbm>>
      %dma_start3A_317 = tpu.memref_squeeze %dma_start3A_316 : memref<1x1x32x512xf32, #tpu.memory_space<hbm>> -> memref<32x512xf32, #tpu.memory_space<hbm>>
      %dma_start3A_318 = arith.constant 0 : i32
      %dma_start3A_319 = arith.constant 0 : i32
      %dma_start3A_320 = tpu.memref_slice %arg6[%dma_start3A_303, %dma_start3A_318, %dma_start3A_319] : memref<2x32x512xf32, #tpu.memory_space<vmem>> -> memref<1x32x512xf32, #tpu.memory_space<vmem>>
      %dma_start3A_321 = tpu.memref_squeeze %dma_start3A_320 : memref<1x32x512xf32, #tpu.memory_space<vmem>> -> memref<32x512xf32, #tpu.memory_space<vmem>>
      tpu.enqueue_dma source(%dma_start3A_321 : memref<32x512xf32, #tpu.memory_space<vmem>>) target(%dma_start3A_317 : memref<32x512xf32, #tpu.memory_space<hbm>>) target_semaphore(%dma_start3A_314 : memref<!tpu.dma_semaphore, #tpu.memory_space<semaphore_mem>>)
      %mul3A_322 = arith.constant 2 : i32
      %mul3A_323 = arith.muli %mul3A_322, %scan3A_124 : i32
      %add3A_324 = arith.constant 1 : i32
      %add3A_325 = arith.addi %mul3A_323, %add3A_324 : i32
      %add3A_326 = arith.constant 1 : i32
      %add3A_327 = arith.addi %add3A_325, %add3A_326 : i32
      %lt3A_328 = arith.constant 32 : i32
      %lt3A_329 = arith.cmpi slt, %add3A_327, %lt3A_328 : i32
      %convert_element_type3A_330 = arith.extui %lt3A_329 : i1 to i32
      %cond3A_331 = arith.constant 0 : i32
      %cond3A_332 = arith.cmpi ne, %convert_element_type3A_330, %cond3A_331 : i32
      scf.if %cond3A_332 {
        %add3A_534 = arith.constant 1 : i32
        %add3A_535 = arith.addi %add3A_325, %add3A_534 : i32
        %jit3A_536 = arith.constant 16 : i32
        %div3A_537 = arith.divsi %add3A_535, %jit3A_536 : i32
        %sign3A_538 = arith.constant 0 : i32
        %sign3A_539 = arith.cmpi sgt, %add3A_535, %sign3A_538 : i32
        %sign3A_540 = arith.extui %sign3A_539 : i1 to i32
        %sign3A_541 = arith.constant 0 : i32
        %sign3A_542 = arith.cmpi slt, %add3A_535, %sign3A_541 : i32
        %sign3A_543 = arith.extui %sign3A_542 : i1 to i32
        %sign3A_544 = arith.subi %sign3A_540, %sign3A_543 : i32
        %sign3A_545 = arith.constant 0 : i32
        %sign3A_546 = arith.cmpi sgt, %jit3A_536, %sign3A_545 : i32
        %sign3A_547 = arith.extui %sign3A_546 : i1 to i32
        %sign3A_548 = arith.constant 0 : i32
        %sign3A_549 = arith.cmpi slt, %jit3A_536, %sign3A_548 : i32
        %sign3A_550 = arith.extui %sign3A_549 : i1 to i32
        %sign3A_551 = arith.subi %sign3A_547, %sign3A_550 : i32
        %ne3A_552 = arith.cmpi ne, %sign3A_544, %sign3A_551 : i32
        %rem3A_553 = arith.remsi %add3A_535, %jit3A_536 : i32
        %ne3A_554 = arith.constant 0 : i32
        %ne3A_555 = arith.cmpi ne, %rem3A_553, %ne3A_554 : i32
        %and3A_556 = arith.andi %ne3A_552, %ne3A_555 : i1
        %sub3A_557 = arith.constant 1 : i32
        %sub3A_558 = arith.subi %div3A_537, %sub3A_557 : i32
        %select_n3A_559 = arith.select %and3A_556, %sub3A_558, %div3A_537 : i32
        %add3A_560 = arith.addi %mul3A_2, %select_n3A_559 : i32
        %jit3A_561 = arith.constant 16 : i32
        %eq3A_562 = arith.constant 0 : i32
        %eq3A_563 = arith.cmpi eq, %jit3A_561, %eq3A_562 : i32
        %jit3A_564 = arith.constant 1 : i32
        %select_n3A_565 = arith.select %eq3A_563, %jit3A_564, %jit3A_561 : i32
        %rem3A_566 = arith.remsi %add3A_535, %select_n3A_565 : i32
        %ne3A_567 = arith.constant 0 : i32
        %ne3A_568 = arith.cmpi ne, %rem3A_566, %ne3A_567 : i32
        %lt3A_569 = arith.constant 0 : i32
        %lt3A_570 = arith.cmpi slt, %rem3A_566, %lt3A_569 : i32
        %lt3A_571 = arith.constant 0 : i32
        %lt3A_572 = arith.cmpi slt, %select_n3A_565, %lt3A_571 : i32
        %ne3A_573 = arith.xori %lt3A_570, %lt3A_572 : i1
        %and3A_574 = arith.andi %ne3A_573, %ne3A_568 : i1
        %add3A_575 = arith.addi %rem3A_566, %select_n3A_565 : i32
        %select_n3A_576 = arith.select %and3A_574, %add3A_575, %rem3A_566 : i32
        %mul3A_577 = arith.constant 32 : i32
        %mul3A_578 = arith.muli %select_n3A_576, %mul3A_577 : i32
        %dma_start3A_579 = arith.constant 0 : i32
        %dma_start3A_580 = arith.constant 0 : i32
        %dma_start3A_581 = arith.constant 0 : i32
        %dma_start3A_582 = arith.constant 0 : i32
        %dma_start3A_583 = tpu.memref_slice %arg4[%dma_start3A_579, %dma_start3A_581, %dma_start3A_582] : memref<2x32x512xf32, #tpu.memory_space<vmem>> -> memref<1x32x512xf32, #tpu.memory_space<vmem>>
        %dma_start3A_584 = tpu.memref_squeeze %dma_start3A_583 : memref<1x32x512xf32, #tpu.memory_space<vmem>> -> memref<32x512xf32, #tpu.memory_space<vmem>>
        %dma_start3A_585 = arith.constant 0 : i32
        %dma_start3A_586 = tpu.memref_slice %arg2[%add3A_560, %mul3A_578, %dma_start3A_585] : memref<64x512x512xf32, #tpu.memory_space<hbm>> -> memref<1x32x512xf32, #tpu.memory_space<hbm>>
        %dma_start3A_587 = tpu.memref_squeeze %dma_start3A_586 : memref<1x32x512xf32, #tpu.memory_space<hbm>> -> memref<32x512xf32, #tpu.memory_space<hbm>>
        %dma_start3A_588 = tpu.memref_slice %arg7[%dma_start3A_580] : memref<2x!tpu.dma_semaphore, #tpu.memory_space<semaphore_mem>> -> memref<1x!tpu.dma_semaphore, #tpu.memory_space<semaphore_mem>>
        %dma_start3A_589 = tpu.memref_squeeze %dma_start3A_588 : memref<1x!tpu.dma_semaphore, #tpu.memory_space<semaphore_mem>> -> memref<!tpu.dma_semaphore, #tpu.memory_space<semaphore_mem>>
        %dma_start3A_590 = arith.constant 0 : i32
        %dma_start3A_591 = arith.constant 0 : i32
        %dma_start3A_592 = tpu.memref_slice %arg4[%dma_start3A_579, %dma_start3A_590, %dma_start3A_591] : memref<2x32x512xf32, #tpu.memory_space<vmem>> -> memref<1x32x512xf32, #tpu.memory_space<vmem>>
        %dma_start3A_593 = tpu.memref_squeeze %dma_start3A_592 : memref<1x32x512xf32, #tpu.memory_space<vmem>> -> memref<32x512xf32, #tpu.memory_space<vmem>>
        %dma_start3A_594 = arith.constant 0 : i32
        %dma_start3A_595 = tpu.memref_slice %arg2[%add3A_560, %mul3A_578, %dma_start3A_594] : memref<64x512x512xf32, #tpu.memory_space<hbm>> -> memref<1x32x512xf32, #tpu.memory_space<hbm>>
        %dma_start3A_596 = tpu.memref_squeeze %dma_start3A_595 : memref<1x32x512xf32, #tpu.memory_space<hbm>> -> memref<32x512xf32, #tpu.memory_space<hbm>>
        tpu.enqueue_dma source(%dma_start3A_596 : memref<32x512xf32, #tpu.memory_space<hbm>>) target(%dma_start3A_593 : memref<32x512xf32, #tpu.memory_space<vmem>>) target_semaphore(%dma_start3A_589 : memref<!tpu.dma_semaphore, #tpu.memory_space<semaphore_mem>>)
      } else {
      }
      %jit3A_333 = arith.constant 16 : i32
      %div3A_334 = arith.divsi %add3A_325, %jit3A_333 : i32
      %sign3A_335 = arith.constant 0 : i32
      %sign3A_336 = arith.cmpi sgt, %add3A_325, %sign3A_335 : i32
      %sign3A_337 = arith.extui %sign3A_336 : i1 to i32
      %sign3A_338 = arith.constant 0 : i32
      %sign3A_339 = arith.cmpi slt, %add3A_325, %sign3A_338 : i32
      %sign3A_340 = arith.extui %sign3A_339 : i1 to i32
      %sign3A_341 = arith.subi %sign3A_337, %sign3A_340 : i32
      %sign3A_342 = arith.constant 0 : i32
      %sign3A_343 = arith.cmpi sgt, %jit3A_333, %sign3A_342 : i32
      %sign3A_344 = arith.extui %sign3A_343 : i1 to i32
      %sign3A_345 = arith.constant 0 : i32
      %sign3A_346 = arith.cmpi slt, %jit3A_333, %sign3A_345 : i32
      %sign3A_347 = arith.extui %sign3A_346 : i1 to i32
      %sign3A_348 = arith.subi %sign3A_344, %sign3A_347 : i32
      %ne3A_349 = arith.cmpi ne, %sign3A_341, %sign3A_348 : i32
      %rem3A_350 = arith.remsi %add3A_325, %jit3A_333 : i32
      %ne3A_351 = arith.constant 0 : i32
      %ne3A_352 = arith.cmpi ne, %rem3A_350, %ne3A_351 : i32
      %and3A_353 = arith.andi %ne3A_349, %ne3A_352 : i1
      %sub3A_354 = arith.constant 1 : i32
      %sub3A_355 = arith.subi %div3A_334, %sub3A_354 : i32
      %select_n3A_356 = arith.select %and3A_353, %sub3A_355, %div3A_334 : i32
      %add3A_357 = arith.addi %mul3A_2, %select_n3A_356 : i32
      %jit3A_358 = arith.constant 16 : i32
      %eq3A_359 = arith.constant 0 : i32
      %eq3A_360 = arith.cmpi eq, %jit3A_358, %eq3A_359 : i32
      %jit3A_361 = arith.constant 1 : i32
      %select_n3A_362 = arith.select %eq3A_360, %jit3A_361, %jit3A_358 : i32
      %rem3A_363 = arith.remsi %add3A_325, %select_n3A_362 : i32
      %ne3A_364 = arith.constant 0 : i32
      %ne3A_365 = arith.cmpi ne, %rem3A_363, %ne3A_364 : i32
      %lt3A_366 = arith.constant 0 : i32
      %lt3A_367 = arith.cmpi slt, %rem3A_363, %lt3A_366 : i32
      %lt3A_368 = arith.constant 0 : i32
      %lt3A_369 = arith.cmpi slt, %select_n3A_362, %lt3A_368 : i32
      %ne3A_370 = arith.xori %lt3A_367, %lt3A_369 : i1
      %and3A_371 = arith.andi %ne3A_370, %ne3A_365 : i1
      %add3A_372 = arith.addi %rem3A_363, %select_n3A_362 : i32
      %select_n3A_373 = arith.select %and3A_371, %add3A_372, %rem3A_363 : i32
      %mul3A_374 = arith.constant 32 : i32
      %mul3A_375 = arith.muli %select_n3A_373, %mul3A_374 : i32
      %dma_wait3A_376 = arith.constant 1 : i32
      %dma_wait3A_377 = arith.constant 1 : i32
      %dma_wait3A_378 = arith.constant 0 : i32
      %dma_wait3A_379 = arith.constant 0 : i32
      %dma_wait3A_380 = tpu.memref_slice %arg4[%dma_wait3A_376, %dma_wait3A_378, %dma_wait3A_379] : memref<2x32x512xf32, #tpu.memory_space<vmem>> -> memref<1x32x512xf32, #tpu.memory_space<vmem>>
      %dma_wait3A_381 = tpu.memref_squeeze %dma_wait3A_380 : memref<1x32x512xf32, #tpu.memory_space<vmem>> -> memref<32x512xf32, #tpu.memory_space<vmem>>
      %dma_wait3A_382 = arith.constant 0 : i32
      %dma_wait3A_383 = tpu.memref_slice %arg2[%add3A_357, %mul3A_375, %dma_wait3A_382] : memref<64x512x512xf32, #tpu.memory_space<hbm>> -> memref<1x32x512xf32, #tpu.memory_space<hbm>>
      %dma_wait3A_384 = tpu.memref_squeeze %dma_wait3A_383 : memref<1x32x512xf32, #tpu.memory_space<hbm>> -> memref<32x512xf32, #tpu.memory_space<hbm>>
      %dma_wait3A_385 = tpu.memref_slice %arg7[%dma_wait3A_377] : memref<2x!tpu.dma_semaphore, #tpu.memory_space<semaphore_mem>> -> memref<1x!tpu.dma_semaphore, #tpu.memory_space<semaphore_mem>>
      %dma_wait3A_386 = tpu.memref_squeeze %dma_wait3A_385 : memref<1x!tpu.dma_semaphore, #tpu.memory_space<semaphore_mem>> -> memref<!tpu.dma_semaphore, #tpu.memory_space<semaphore_mem>>
      %dma_wait3A_387 = arith.constant 0 : i32
      %dma_wait3A_388 = arith.constant 0 : i32
      %dma_wait3A_389 = tpu.memref_slice %arg4[%dma_wait3A_376, %dma_wait3A_387, %dma_wait3A_388] : memref<2x32x512xf32, #tpu.memory_space<vmem>> -> memref<1x32x512xf32, #tpu.memory_space<vmem>>
      %dma_wait3A_390 = tpu.memref_squeeze %dma_wait3A_389 : memref<1x32x512xf32, #tpu.memory_space<vmem>> -> memref<32x512xf32, #tpu.memory_space<vmem>>
      %dma_wait3A_391 = arith.constant 0 : i32
      %dma_wait3A_392 = tpu.memref_slice %arg2[%add3A_357, %mul3A_375, %dma_wait3A_391] : memref<64x512x512xf32, #tpu.memory_space<hbm>> -> memref<1x32x512xf32, #tpu.memory_space<hbm>>
      %dma_wait3A_393 = tpu.memref_squeeze %dma_wait3A_392 : memref<1x32x512xf32, #tpu.memory_space<hbm>> -> memref<32x512xf32, #tpu.memory_space<hbm>>
      tpu.wait_dma2 semaphore(%dma_wait3A_386 : memref<!tpu.dma_semaphore, #tpu.memory_space<semaphore_mem>>) src(%dma_wait3A_393 : memref<32x512xf32, #tpu.memory_space<hbm>>) dst(%dma_wait3A_390 : memref<32x512xf32, #tpu.memory_space<vmem>>)
      %ge3A_394 = arith.constant 2 : i32
      %ge3A_395 = arith.cmpi sge, %add3A_325, %ge3A_394 : i32
      %convert_element_type3A_396 = arith.extui %ge3A_395 : i1 to i32
      %cond3A_397 = arith.constant 0 : i32
      %cond3A_398 = arith.cmpi ne, %convert_element_type3A_396, %cond3A_397 : i32
      scf.if %cond3A_398 {
        %sub3A_534 = arith.constant 2 : i32
        %sub3A_535 = arith.subi %add3A_325, %sub3A_534 : i32
        %jit3A_536 = arith.constant 16 : i32
        %div3A_537 = arith.divsi %sub3A_535, %jit3A_536 : i32
        %sign3A_538 = arith.constant 0 : i32
        %sign3A_539 = arith.cmpi sgt, %sub3A_535, %sign3A_538 : i32
        %sign3A_540 = arith.extui %sign3A_539 : i1 to i32
        %sign3A_541 = arith.constant 0 : i32
        %sign3A_542 = arith.cmpi slt, %sub3A_535, %sign3A_541 : i32
        %sign3A_543 = arith.extui %sign3A_542 : i1 to i32
        %sign3A_544 = arith.subi %sign3A_540, %sign3A_543 : i32
        %sign3A_545 = arith.constant 0 : i32
        %sign3A_546 = arith.cmpi sgt, %jit3A_536, %sign3A_545 : i32
        %sign3A_547 = arith.extui %sign3A_546 : i1 to i32
        %sign3A_548 = arith.constant 0 : i32
        %sign3A_549 = arith.cmpi slt, %jit3A_536, %sign3A_548 : i32
        %sign3A_550 = arith.extui %sign3A_549 : i1 to i32
        %sign3A_551 = arith.subi %sign3A_547, %sign3A_550 : i32
        %ne3A_552 = arith.cmpi ne, %sign3A_544, %sign3A_551 : i32
        %rem3A_553 = arith.remsi %sub3A_535, %jit3A_536 : i32
        %ne3A_554 = arith.constant 0 : i32
        %ne3A_555 = arith.cmpi ne, %rem3A_553, %ne3A_554 : i32
        %and3A_556 = arith.andi %ne3A_552, %ne3A_555 : i1
        %sub3A_557 = arith.constant 1 : i32
        %sub3A_558 = arith.subi %div3A_537, %sub3A_557 : i32
        %select_n3A_559 = arith.select %and3A_556, %sub3A_558, %div3A_537 : i32
        %add3A_560 = arith.addi %mul3A_2, %select_n3A_559 : i32
        %jit3A_561 = arith.constant 16 : i32
        %eq3A_562 = arith.constant 0 : i32
        %eq3A_563 = arith.cmpi eq, %jit3A_561, %eq3A_562 : i32
        %jit3A_564 = arith.constant 1 : i32
        %select_n3A_565 = arith.select %eq3A_563, %jit3A_564, %jit3A_561 : i32
        %rem3A_566 = arith.remsi %sub3A_535, %select_n3A_565 : i32
        %ne3A_567 = arith.constant 0 : i32
        %ne3A_568 = arith.cmpi ne, %rem3A_566, %ne3A_567 : i32
        %lt3A_569 = arith.constant 0 : i32
        %lt3A_570 = arith.cmpi slt, %rem3A_566, %lt3A_569 : i32
        %lt3A_571 = arith.constant 0 : i32
        %lt3A_572 = arith.cmpi slt, %select_n3A_565, %lt3A_571 : i32
        %ne3A_573 = arith.xori %lt3A_570, %lt3A_572 : i1
        %and3A_574 = arith.andi %ne3A_573, %ne3A_568 : i1
        %add3A_575 = arith.addi %rem3A_566, %select_n3A_565 : i32
        %select_n3A_576 = arith.select %and3A_574, %add3A_575, %rem3A_566 : i32
        %mul3A_577 = arith.constant 32 : i32
        %mul3A_578 = arith.muli %select_n3A_576, %mul3A_577 : i32
        %dma_wait3A_579 = arith.constant 1 : i32
        %dma_wait3A_580 = arith.constant 0 : i32
        %dma_wait3A_581 = arith.constant 1 : i32
        %dma_wait3A_582 = arith.constant 0 : i32
        %dma_wait3A_583 = arith.constant 0 : i32
        %dma_wait3A_584 = tpu.memref_slice %arg5[%dma_wait3A_579, %dma_wait3A_582, %dma_wait3A_583] : memref<2x32x512xf32, #tpu.memory_space<vmem>> -> memref<1x32x512xf32, #tpu.memory_space<vmem>>
        %dma_wait3A_585 = tpu.memref_squeeze %dma_wait3A_584 : memref<1x32x512xf32, #tpu.memory_space<vmem>> -> memref<32x512xf32, #tpu.memory_space<vmem>>
        %dma_wait3A_586 = arith.constant 0 : i32
        %dma_wait3A_587 = tpu.memref_slice %arg3[%add3A_560, %dma_wait3A_580, %mul3A_578, %dma_wait3A_586] : memref<64x2x512x512xf32, #tpu.memory_space<hbm>> -> memref<1x1x32x512xf32, #tpu.memory_space<hbm>>
        %dma_wait3A_588 = tpu.memref_squeeze %dma_wait3A_587 : memref<1x1x32x512xf32, #tpu.memory_space<hbm>> -> memref<32x512xf32, #tpu.memory_space<hbm>>
        %dma_wait3A_589 = tpu.memref_slice %arg8[%dma_wait3A_581] : memref<2x!tpu.dma_semaphore, #tpu.memory_space<semaphore_mem>> -> memref<1x!tpu.dma_semaphore, #tpu.memory_space<semaphore_mem>>
        %dma_wait3A_590 = tpu.memref_squeeze %dma_wait3A_589 : memref<1x!tpu.dma_semaphore, #tpu.memory_space<semaphore_mem>> -> memref<!tpu.dma_semaphore, #tpu.memory_space<semaphore_mem>>
        %dma_wait3A_591 = arith.constant 0 : i32
        %dma_wait3A_592 = tpu.memref_slice %arg3[%add3A_560, %dma_wait3A_580, %mul3A_578, %dma_wait3A_591] : memref<64x2x512x512xf32, #tpu.memory_space<hbm>> -> memref<1x1x32x512xf32, #tpu.memory_space<hbm>>
        %dma_wait3A_593 = tpu.memref_squeeze %dma_wait3A_592 : memref<1x1x32x512xf32, #tpu.memory_space<hbm>> -> memref<32x512xf32, #tpu.memory_space<hbm>>
        %dma_wait3A_594 = arith.constant 0 : i32
        %dma_wait3A_595 = arith.constant 0 : i32
        %dma_wait3A_596 = tpu.memref_slice %arg5[%dma_wait3A_579, %dma_wait3A_594, %dma_wait3A_595] : memref<2x32x512xf32, #tpu.memory_space<vmem>> -> memref<1x32x512xf32, #tpu.memory_space<vmem>>
        %dma_wait3A_597 = tpu.memref_squeeze %dma_wait3A_596 : memref<1x32x512xf32, #tpu.memory_space<vmem>> -> memref<32x512xf32, #tpu.memory_space<vmem>>
        tpu.wait_dma2 semaphore(%dma_wait3A_590 : memref<!tpu.dma_semaphore, #tpu.memory_space<semaphore_mem>>) src(%dma_wait3A_597 : memref<32x512xf32, #tpu.memory_space<vmem>>) dst(%dma_wait3A_593 : memref<32x512xf32, #tpu.memory_space<hbm>>)
        %sub3A_598 = arith.constant 2 : i32
        %sub3A_599 = arith.subi %add3A_325, %sub3A_598 : i32
        %jit3A_600 = arith.constant 16 : i32
        %div3A_601 = arith.divsi %sub3A_599, %jit3A_600 : i32
        %sign3A_602 = arith.constant 0 : i32
        %sign3A_603 = arith.cmpi sgt, %sub3A_599, %sign3A_602 : i32
        %sign3A_604 = arith.extui %sign3A_603 : i1 to i32
        %sign3A_605 = arith.constant 0 : i32
        %sign3A_606 = arith.cmpi slt, %sub3A_599, %sign3A_605 : i32
        %sign3A_607 = arith.extui %sign3A_606 : i1 to i32
        %sign3A_608 = arith.subi %sign3A_604, %sign3A_607 : i32
        %sign3A_609 = arith.constant 0 : i32
        %sign3A_610 = arith.cmpi sgt, %jit3A_600, %sign3A_609 : i32
        %sign3A_611 = arith.extui %sign3A_610 : i1 to i32
        %sign3A_612 = arith.constant 0 : i32
        %sign3A_613 = arith.cmpi slt, %jit3A_600, %sign3A_612 : i32
        %sign3A_614 = arith.extui %sign3A_613 : i1 to i32
        %sign3A_615 = arith.subi %sign3A_611, %sign3A_614 : i32
        %ne3A_616 = arith.cmpi ne, %sign3A_608, %sign3A_615 : i32
        %rem3A_617 = arith.remsi %sub3A_599, %jit3A_600 : i32
        %ne3A_618 = arith.constant 0 : i32
        %ne3A_619 = arith.cmpi ne, %rem3A_617, %ne3A_618 : i32
        %and3A_620 = arith.andi %ne3A_616, %ne3A_619 : i1
        %sub3A_621 = arith.constant 1 : i32
        %sub3A_622 = arith.subi %div3A_601, %sub3A_621 : i32
        %select_n3A_623 = arith.select %and3A_620, %sub3A_622, %div3A_601 : i32
        %add3A_624 = arith.addi %mul3A_2, %select_n3A_623 : i32
        %jit3A_625 = arith.constant 16 : i32
        %eq3A_626 = arith.constant 0 : i32
        %eq3A_627 = arith.cmpi eq, %jit3A_625, %eq3A_626 : i32
        %jit3A_628 = arith.constant 1 : i32
        %select_n3A_629 = arith.select %eq3A_627, %jit3A_628, %jit3A_625 : i32
        %rem3A_630 = arith.remsi %sub3A_599, %select_n3A_629 : i32
        %ne3A_631 = arith.constant 0 : i32
        %ne3A_632 = arith.cmpi ne, %rem3A_630, %ne3A_631 : i32
        %lt3A_633 = arith.constant 0 : i32
        %lt3A_634 = arith.cmpi slt, %rem3A_630, %lt3A_633 : i32
        %lt3A_635 = arith.constant 0 : i32
        %lt3A_636 = arith.cmpi slt, %select_n3A_629, %lt3A_635 : i32
        %ne3A_637 = arith.xori %lt3A_634, %lt3A_636 : i1
        %and3A_638 = arith.andi %ne3A_637, %ne3A_632 : i1
        %add3A_639 = arith.addi %rem3A_630, %select_n3A_629 : i32
        %select_n3A_640 = arith.select %and3A_638, %add3A_639, %rem3A_630 : i32
        %mul3A_641 = arith.constant 32 : i32
        %mul3A_642 = arith.muli %select_n3A_640, %mul3A_641 : i32
        %dma_wait3A_643 = arith.constant 1 : i32
        %dma_wait3A_644 = arith.constant 1 : i32
        %dma_wait3A_645 = arith.constant 1 : i32
        %dma_wait3A_646 = arith.constant 0 : i32
        %dma_wait3A_647 = arith.constant 0 : i32
        %dma_wait3A_648 = tpu.memref_slice %arg6[%dma_wait3A_643, %dma_wait3A_646, %dma_wait3A_647] : memref<2x32x512xf32, #tpu.memory_space<vmem>> -> memref<1x32x512xf32, #tpu.memory_space<vmem>>
        %dma_wait3A_649 = tpu.memref_squeeze %dma_wait3A_648 : memref<1x32x512xf32, #tpu.memory_space<vmem>> -> memref<32x512xf32, #tpu.memory_space<vmem>>
        %dma_wait3A_650 = arith.constant 0 : i32
        %dma_wait3A_651 = tpu.memref_slice %arg3[%add3A_624, %dma_wait3A_644, %mul3A_642, %dma_wait3A_650] : memref<64x2x512x512xf32, #tpu.memory_space<hbm>> -> memref<1x1x32x512xf32, #tpu.memory_space<hbm>>
        %dma_wait3A_652 = tpu.memref_squeeze %dma_wait3A_651 : memref<1x1x32x512xf32, #tpu.memory_space<hbm>> -> memref<32x512xf32, #tpu.memory_space<hbm>>
        %dma_wait3A_653 = tpu.memref_slice %arg9[%dma_wait3A_645] : memref<2x!tpu.dma_semaphore, #tpu.memory_space<semaphore_mem>> -> memref<1x!tpu.dma_semaphore, #tpu.memory_space<semaphore_mem>>
        %dma_wait3A_654 = tpu.memref_squeeze %dma_wait3A_653 : memref<1x!tpu.dma_semaphore, #tpu.memory_space<semaphore_mem>> -> memref<!tpu.dma_semaphore, #tpu.memory_space<semaphore_mem>>
        %dma_wait3A_655 = arith.constant 0 : i32
        %dma_wait3A_656 = tpu.memref_slice %arg3[%add3A_624, %dma_wait3A_644, %mul3A_642, %dma_wait3A_655] : memref<64x2x512x512xf32, #tpu.memory_space<hbm>> -> memref<1x1x32x512xf32, #tpu.memory_space<hbm>>
        %dma_wait3A_657 = tpu.memref_squeeze %dma_wait3A_656 : memref<1x1x32x512xf32, #tpu.memory_space<hbm>> -> memref<32x512xf32, #tpu.memory_space<hbm>>
        %dma_wait3A_658 = arith.constant 0 : i32
        %dma_wait3A_659 = arith.constant 0 : i32
        %dma_wait3A_660 = tpu.memref_slice %arg6[%dma_wait3A_643, %dma_wait3A_658, %dma_wait3A_659] : memref<2x32x512xf32, #tpu.memory_space<vmem>> -> memref<1x32x512xf32, #tpu.memory_space<vmem>>
        %dma_wait3A_661 = tpu.memref_squeeze %dma_wait3A_660 : memref<1x32x512xf32, #tpu.memory_space<vmem>> -> memref<32x512xf32, #tpu.memory_space<vmem>>
        tpu.wait_dma2 semaphore(%dma_wait3A_654 : memref<!tpu.dma_semaphore, #tpu.memory_space<semaphore_mem>>) src(%dma_wait3A_661 : memref<32x512xf32, #tpu.memory_space<vmem>>) dst(%dma_wait3A_657 : memref<32x512xf32, #tpu.memory_space<hbm>>)
      } else {
      }
      %scan3A_399 = arith.constant 1 : i32
      %scan3A_400 = arith.constant 1 : i32
      %scan3A_401 = arith.constant 1 : i32
      %scan3A_402 = arith.constant 0 : i32
      %scan3A_403 = arith.constant 0 : i32
      %scan3A_404 = arith.constant 32 : i32
      %scan3A_405 = arith.addi %scan3A_403, %scan3A_404 : i32
      %scan3A_406 = arith.constant 1 : i32
      %scan3A_407 = scf.for %scan3A_534 = %scan3A_403 to %scan3A_405 step %scan3A_406 iter_args(%scan3A_535 = %scan3A_402) -> (i32)  : i32 {
        %parallel_loop3A = arith.constant 0 : i32
        %parallel_loop3A_536 = arith.constant 32 : i32
        %parallel_loop3A_537 = arith.constant 1 : i32
        scf.for %parallel_loop3A_539 = %parallel_loop3A to %parallel_loop3A_536 step %parallel_loop3A_537  : i32 {
          %parallel_loop3A_540 = arith.constant 16 : i32
          %parallel_loop3A_541 = arith.muli %parallel_loop3A_539, %parallel_loop3A_540 : i32
          %parallel_loop3A_542 = arith.constant 0 : i32
          %parallel_loop3A_543 = arith.constant 0 : i32
          %parallel_loop3A_544 = tpu.memref_slice %arg4[%scan3A_399, %parallel_loop3A_542, %parallel_loop3A_543] : memref<2x32x512xf32, #tpu.memory_space<vmem>> -> memref<1x32x512xf32, #tpu.memory_space<vmem>>
          %parallel_loop3A_545 = tpu.memref_squeeze %parallel_loop3A_544 : memref<1x32x512xf32, #tpu.memory_space<vmem>> -> memref<32x512xf32, #tpu.memory_space<vmem>>
          %parallel_loop3A_546 = arith.index_cast %scan3A_534 : i32 to index
          %parallel_loop3A_547 = arith.index_cast %parallel_loop3A_541 : i32 to index
          %parallel_loop3A_548 = tpu.vector_load %parallel_loop3A_545[%parallel_loop3A_546, %parallel_loop3A_547] {strides = array<i32>} : memref<32x512xf32, #tpu.memory_space<vmem>>, vector<1x16xf32>,
          %parallel_loop3A_549 = vector.shape_cast %parallel_loop3A_548 : vector<1x16xf32> to vector<16xf32>
          %parallel_loop3A_550 = arith.constant 0.000000e+00 : f32
          %parallel_loop3A_551 = vector.broadcast %parallel_loop3A_550 : f32 to vector<16xf32>
          %parallel_loop3A_552 = arith.cmpf ogt, %parallel_loop3A_549, %parallel_loop3A_551 : vector<16xf32>
          %parallel_loop3A_553 = arith.select %parallel_loop3A_552, %broadcast_in_dim3A_3, %broadcast_in_dim3A_5 : vector<16xi1>, vector<16xf32>
          %parallel_loop3A_554 = arith.constant 16 : i32
          %parallel_loop3A_555 = arith.muli %parallel_loop3A_539, %parallel_loop3A_554 : i32
          %parallel_loop3A_556 = arith.constant 0 : i32
          %parallel_loop3A_557 = arith.constant 0 : i32
          %parallel_loop3A_558 = tpu.memref_slice %arg5[%scan3A_400, %parallel_loop3A_556, %parallel_loop3A_557] : memref<2x32x512xf32, #tpu.memory_space<vmem>> -> memref<1x32x512xf32, #tpu.memory_space<vmem>>
          %parallel_loop3A_559 = tpu.memref_squeeze %parallel_loop3A_558 : memref<1x32x512xf32, #tpu.memory_space<vmem>> -> memref<32x512xf32, #tpu.memory_space<vmem>>
          %parallel_loop3A_560 = arith.index_cast %scan3A_534 : i32 to index
          %parallel_loop3A_561 = arith.index_cast %parallel_loop3A_555 : i32 to index
          %parallel_loop3A_562 = tpu.vector_load %parallel_loop3A_559[%parallel_loop3A_560, %parallel_loop3A_561] {strides = array<i32>} : memref<32x512xf32, #tpu.memory_space<vmem>>, vector<1x16xf32>,
          %parallel_loop3A_563 = vector.shape_cast %parallel_loop3A_562 : vector<1x16xf32> to vector<16xf32>
          %parallel_loop3A_564 = vector.shape_cast %parallel_loop3A_553 : vector<16xf32> to vector<1x16xf32>
          tpu.vector_store %parallel_loop3A_559[%parallel_loop3A_560, %parallel_loop3A_561], %parallel_loop3A_564 {strides = array<i32>} : memref<32x512xf32, #tpu.memory_space<vmem>>, vector<1x16xf32>,
          %parallel_loop3A_565 = arith.constant 0.000000e+00 : f32
          %parallel_loop3A_566 = vector.broadcast %parallel_loop3A_565 : f32 to vector<16xf32>
          %parallel_loop3A_567 = arith.cmpf oeq, %parallel_loop3A_549, %parallel_loop3A_566 : vector<16xf32>
          %parallel_loop3A_568 = arith.constant 2.500000e-01 : f32
          %parallel_loop3A_569 = vector.broadcast %parallel_loop3A_568 : f32 to vector<16xf32>
          %parallel_loop3A_570 = arith.cmpf oeq, %parallel_loop3A_549, %parallel_loop3A_569 : vector<16xf32>
          %parallel_loop3A_571 = arith.ori %parallel_loop3A_567, %parallel_loop3A_570 : vector<16xi1>
          %parallel_loop3A_572 = arith.select %parallel_loop3A_571, %broadcast_in_dim3A_3, %broadcast_in_dim3A_5 : vector<16xi1>, vector<16xf32>
          %parallel_loop3A_573 = arith.constant 16 : i32
          %parallel_loop3A_574 = arith.muli %parallel_loop3A_539, %parallel_loop3A_573 : i32
          %parallel_loop3A_575 = arith.constant 0 : i32
          %parallel_loop3A_576 = arith.constant 0 : i32
          %parallel_loop3A_577 = tpu.memref_slice %arg6[%scan3A_401, %parallel_loop3A_575, %parallel_loop3A_576] : memref<2x32x512xf32, #tpu.memory_space<vmem>> -> memref<1x32x512xf32, #tpu.memory_space<vmem>>
          %parallel_loop3A_578 = tpu.memref_squeeze %parallel_loop3A_577 : memref<1x32x512xf32, #tpu.memory_space<vmem>> -> memref<32x512xf32, #tpu.memory_space<vmem>>
          %parallel_loop3A_579 = arith.index_cast %scan3A_534 : i32 to index
          %parallel_loop3A_580 = arith.index_cast %parallel_loop3A_574 : i32 to index
          %parallel_loop3A_581 = tpu.vector_load %parallel_loop3A_578[%parallel_loop3A_579, %parallel_loop3A_580] {strides = array<i32>} : memref<32x512xf32, #tpu.memory_space<vmem>>, vector<1x16xf32>,
          %parallel_loop3A_582 = vector.shape_cast %parallel_loop3A_581 : vector<1x16xf32> to vector<16xf32>
          %parallel_loop3A_583 = vector.shape_cast %parallel_loop3A_572 : vector<16xf32> to vector<1x16xf32>
          tpu.vector_store %parallel_loop3A_578[%parallel_loop3A_579, %parallel_loop3A_580], %parallel_loop3A_583 {strides = array<i32>} : memref<32x512xf32, #tpu.memory_space<vmem>>, vector<1x16xf32>,
        } {sc.loop_unroll_factor = 8 : i64, sc.parallel_access}
        %scan3A_538 = arith.constant 0 : i32
        scf.yield %scan3A_538 : i32
      }
      %scan3A_408 = arith.constant 32 : i32
      %jit3A_409 = arith.constant 16 : i32
      %div3A_410 = arith.divsi %add3A_325, %jit3A_409 : i32
      %sign3A_411 = arith.constant 0 : i32
      %sign3A_412 = arith.cmpi sgt, %add3A_325, %sign3A_411 : i32
      %sign3A_413 = arith.extui %sign3A_412 : i1 to i32
      %sign3A_414 = arith.constant 0 : i32
      %sign3A_415 = arith.cmpi slt, %add3A_325, %sign3A_414 : i32
      %sign3A_416 = arith.extui %sign3A_415 : i1 to i32
      %sign3A_417 = arith.subi %sign3A_413, %sign3A_416 : i32
      %sign3A_418 = arith.constant 0 : i32
      %sign3A_419 = arith.cmpi sgt, %jit3A_409, %sign3A_418 : i32
      %sign3A_420 = arith.extui %sign3A_419 : i1 to i32
      %sign3A_421 = arith.constant 0 : i32
      %sign3A_422 = arith.cmpi slt, %jit3A_409, %sign3A_421 : i32
      %sign3A_423 = arith.extui %sign3A_422 : i1 to i32
      %sign3A_424 = arith.subi %sign3A_420, %sign3A_423 : i32
      %ne3A_425 = arith.cmpi ne, %sign3A_417, %sign3A_424 : i32
      %rem3A_426 = arith.remsi %add3A_325, %jit3A_409 : i32
      %ne3A_427 = arith.constant 0 : i32
      %ne3A_428 = arith.cmpi ne, %rem3A_426, %ne3A_427 : i32
      %and3A_429 = arith.andi %ne3A_425, %ne3A_428 : i1
      %sub3A_430 = arith.constant 1 : i32
      %sub3A_431 = arith.subi %div3A_410, %sub3A_430 : i32
      %select_n3A_432 = arith.select %and3A_429, %sub3A_431, %div3A_410 : i32
      %add3A_433 = arith.addi %mul3A_2, %select_n3A_432 : i32
      %jit3A_434 = arith.constant 16 : i32
      %eq3A_435 = arith.constant 0 : i32
      %eq3A_436 = arith.cmpi eq, %jit3A_434, %eq3A_435 : i32
      %jit3A_437 = arith.constant 1 : i32
      %select_n3A_438 = arith.select %eq3A_436, %jit3A_437, %jit3A_434 : i32
      %rem3A_439 = arith.remsi %add3A_325, %select_n3A_438 : i32
      %ne3A_440 = arith.constant 0 : i32
      %ne3A_441 = arith.cmpi ne, %rem3A_439, %ne3A_440 : i32
      %lt3A_442 = arith.constant 0 : i32
      %lt3A_443 = arith.cmpi slt, %rem3A_439, %lt3A_442 : i32
      %lt3A_444 = arith.constant 0 : i32
      %lt3A_445 = arith.cmpi slt, %select_n3A_438, %lt3A_444 : i32
      %ne3A_446 = arith.xori %lt3A_443, %lt3A_445 : i1
      %and3A_447 = arith.andi %ne3A_446, %ne3A_441 : i1
      %add3A_448 = arith.addi %rem3A_439, %select_n3A_438 : i32
      %select_n3A_449 = arith.select %and3A_447, %add3A_448, %rem3A_439 : i32
      %mul3A_450 = arith.constant 32 : i32
      %mul3A_451 = arith.muli %select_n3A_449, %mul3A_450 : i32
      %dma_start3A_452 = arith.constant 1 : i32
      %dma_start3A_453 = arith.constant 0 : i32
      %dma_start3A_454 = arith.constant 1 : i32
      %dma_start3A_455 = arith.constant 0 : i32
      %dma_start3A_456 = arith.constant 0 : i32
      %dma_start3A_457 = tpu.memref_slice %arg5[%dma_start3A_452, %dma_start3A_455, %dma_start3A_456] : memref<2x32x512xf32, #tpu.memory_space<vmem>> -> memref<1x32x512xf32, #tpu.memory_space<vmem>>
      %dma_start3A_458 = tpu.memref_squeeze %dma_start3A_457 : memref<1x32x512xf32, #tpu.memory_space<vmem>> -> memref<32x512xf32, #tpu.memory_space<vmem>>
      %dma_start3A_459 = arith.constant 0 : i32
      %dma_start3A_460 = tpu.memref_slice %arg3[%add3A_433, %dma_start3A_453, %mul3A_451, %dma_start3A_459] : memref<64x2x512x512xf32, #tpu.memory_space<hbm>> -> memref<1x1x32x512xf32, #tpu.memory_space<hbm>>
      %dma_start3A_461 = tpu.memref_squeeze %dma_start3A_460 : memref<1x1x32x512xf32, #tpu.memory_space<hbm>> -> memref<32x512xf32, #tpu.memory_space<hbm>>
      %dma_start3A_462 = tpu.memref_slice %arg8[%dma_start3A_454] : memref<2x!tpu.dma_semaphore, #tpu.memory_space<semaphore_mem>> -> memref<1x!tpu.dma_semaphore, #tpu.memory_space<semaphore_mem>>
      %dma_start3A_463 = tpu.memref_squeeze %dma_start3A_462 : memref<1x!tpu.dma_semaphore, #tpu.memory_space<semaphore_mem>> -> memref<!tpu.dma_semaphore, #tpu.memory_space<semaphore_mem>>
      %dma_start3A_464 = arith.constant 0 : i32
      %dma_start3A_465 = tpu.memref_slice %arg3[%add3A_433, %dma_start3A_453, %mul3A_451, %dma_start3A_464] : memref<64x2x512x512xf32, #tpu.memory_space<hbm>> -> memref<1x1x32x512xf32, #tpu.memory_space<hbm>>
      %dma_start3A_466 = tpu.memref_squeeze %dma_start3A_465 : memref<1x1x32x512xf32, #tpu.memory_space<hbm>> -> memref<32x512xf32, #tpu.memory_space<hbm>>
      %dma_start3A_467 = arith.constant 0 : i32
      %dma_start3A_468 = arith.constant 0 : i32
      %dma_start3A_469 = tpu.memref_slice %arg5[%dma_start3A_452, %dma_start3A_467, %dma_start3A_468] : memref<2x32x512xf32, #tpu.memory_space<vmem>> -> memref<1x32x512xf32, #tpu.memory_space<vmem>>
      %dma_start3A_470 = tpu.memref_squeeze %dma_start3A_469 : memref<1x32x512xf32, #tpu.memory_space<vmem>> -> memref<32x512xf32, #tpu.memory_space<vmem>>
      tpu.enqueue_dma source(%dma_start3A_470 : memref<32x512xf32, #tpu.memory_space<vmem>>) target(%dma_start3A_466 : memref<32x512xf32, #tpu.memory_space<hbm>>) target_semaphore(%dma_start3A_463 : memref<!tpu.dma_semaphore, #tpu.memory_space<semaphore_mem>>)
      %jit3A_471 = arith.constant 16 : i32
      %div3A_472 = arith.divsi %add3A_325, %jit3A_471 : i32
      %sign3A_473 = arith.constant 0 : i32
      %sign3A_474 = arith.cmpi sgt, %add3A_325, %sign3A_473 : i32
      %sign3A_475 = arith.extui %sign3A_474 : i1 to i32
      %sign3A_476 = arith.constant 0 : i32
      %sign3A_477 = arith.cmpi slt, %add3A_325, %sign3A_476 : i32
      %sign3A_478 = arith.extui %sign3A_477 : i1 to i32
      %sign3A_479 = arith.subi %sign3A_475, %sign3A_478 : i32
      %sign3A_480 = arith.constant 0 : i32
      %sign3A_481 = arith.cmpi sgt, %jit3A_471, %sign3A_480 : i32
      %sign3A_482 = arith.extui %sign3A_481 : i1 to i32
      %sign3A_483 = arith.constant 0 : i32
      %sign3A_484 = arith.cmpi slt, %jit3A_471, %sign3A_483 : i32
      %sign3A_485 = arith.extui %sign3A_484 : i1 to i32
      %sign3A_486 = arith.subi %sign3A_482, %sign3A_485 : i32
      %ne3A_487 = arith.cmpi ne, %sign3A_479, %sign3A_486 : i32
      %rem3A_488 = arith.remsi %add3A_325, %jit3A_471 : i32
      %ne3A_489 = arith.constant 0 : i32
      %ne3A_490 = arith.cmpi ne, %rem3A_488, %ne3A_489 : i32
      %and3A_491 = arith.andi %ne3A_487, %ne3A_490 : i1
      %sub3A_492 = arith.constant 1 : i32
      %sub3A_493 = arith.subi %div3A_472, %sub3A_492 : i32
      %select_n3A_494 = arith.select %and3A_491, %sub3A_493, %div3A_472 : i32
      %add3A_495 = arith.addi %mul3A_2, %select_n3A_494 : i32
      %jit3A_496 = arith.constant 16 : i32
      %eq3A_497 = arith.constant 0 : i32
      %eq3A_498 = arith.cmpi eq, %jit3A_496, %eq3A_497 : i32
      %jit3A_499 = arith.constant 1 : i32
      %select_n3A_500 = arith.select %eq3A_498, %jit3A_499, %jit3A_496 : i32
      %rem3A_501 = arith.remsi %add3A_325, %select_n3A_500 : i32
      %ne3A_502 = arith.constant 0 : i32
      %ne3A_503 = arith.cmpi ne, %rem3A_501, %ne3A_502 : i32
      %lt3A_504 = arith.constant 0 : i32
      %lt3A_505 = arith.cmpi slt, %rem3A_501, %lt3A_504 : i32
      %lt3A_506 = arith.constant 0 : i32
      %lt3A_507 = arith.cmpi slt, %select_n3A_500, %lt3A_506 : i32
      %ne3A_508 = arith.xori %lt3A_505, %lt3A_507 : i1
      %and3A_509 = arith.andi %ne3A_508, %ne3A_503 : i1
      %add3A_510 = arith.addi %rem3A_501, %select_n3A_500 : i32
      %select_n3A_511 = arith.select %and3A_509, %add3A_510, %rem3A_501 : i32
      %mul3A_512 = arith.constant 32 : i32
      %mul3A_513 = arith.muli %select_n3A_511, %mul3A_512 : i32
      %dma_start3A_514 = arith.constant 1 : i32
      %dma_start3A_515 = arith.constant 1 : i32
      %dma_start3A_516 = arith.constant 1 : i32
      %dma_start3A_517 = arith.constant 0 : i32
      %dma_start3A_518 = arith.constant 0 : i32
      %dma_start3A_519 = tpu.memref_slice %arg6[%dma_start3A_514, %dma_start3A_517, %dma_start3A_518] : memref<2x32x512xf32, #tpu.memory_space<vmem>> -> memref<1x32x512xf32, #tpu.memory_space<vmem>>
      %dma_start3A_520 = tpu.memref_squeeze %dma_start3A_519 : memref<1x32x512xf32, #tpu.memory_space<vmem>> -> memref<32x512xf32, #tpu.memory_space<vmem>>
      %dma_start3A_521 = arith.constant 0 : i32
      %dma_start3A_522 = tpu.memref_slice %arg3[%add3A_495, %dma_start3A_515, %mul3A_513, %dma_start3A_521] : memref<64x2x512x512xf32, #tpu.memory_space<hbm>> -> memref<1x1x32x512xf32, #tpu.memory_space<hbm>>
      %dma_start3A_523 = tpu.memref_squeeze %dma_start3A_522 : memref<1x1x32x512xf32, #tpu.memory_space<hbm>> -> memref<32x512xf32, #tpu.memory_space<hbm>>
      %dma_start3A_524 = tpu.memref_slice %arg9[%dma_start3A_516] : memref<2x!tpu.dma_semaphore, #tpu.memory_space<semaphore_mem>> -> memref<1x!tpu.dma_semaphore, #tpu.memory_space<semaphore_mem>>
      %dma_start3A_525 = tpu.memref_squeeze %dma_start3A_524 : memref<1x!tpu.dma_semaphore, #tpu.memory_space<semaphore_mem>> -> memref<!tpu.dma_semaphore, #tpu.memory_space<semaphore_mem>>
      %dma_start3A_526 = arith.constant 0 : i32
      %dma_start3A_527 = tpu.memref_slice %arg3[%add3A_495, %dma_start3A_515, %mul3A_513, %dma_start3A_526] : memref<64x2x512x512xf32, #tpu.memory_space<hbm>> -> memref<1x1x32x512xf32, #tpu.memory_space<hbm>>
      %dma_start3A_528 = tpu.memref_squeeze %dma_start3A_527 : memref<1x1x32x512xf32, #tpu.memory_space<hbm>> -> memref<32x512xf32, #tpu.memory_space<hbm>>
      %dma_start3A_529 = arith.constant 0 : i32
      %dma_start3A_530 = arith.constant 0 : i32
      %dma_start3A_531 = tpu.memref_slice %arg6[%dma_start3A_514, %dma_start3A_529, %dma_start3A_530] : memref<2x32x512xf32, #tpu.memory_space<vmem>> -> memref<1x32x512xf32, #tpu.memory_space<vmem>>
      %dma_start3A_532 = tpu.memref_squeeze %dma_start3A_531 : memref<1x32x512xf32, #tpu.memory_space<vmem>> -> memref<32x512xf32, #tpu.memory_space<vmem>>
      tpu.enqueue_dma source(%dma_start3A_532 : memref<32x512xf32, #tpu.memory_space<vmem>>) target(%dma_start3A_528 : memref<32x512xf32, #tpu.memory_space<hbm>>) target_semaphore(%dma_start3A_525 : memref<!tpu.dma_semaphore, #tpu.memory_space<semaphore_mem>>)
      %scan3A_533 = arith.constant 0 : i32
      scf.yield %scan3A_533 : i32
    }
    %scan3A_32 = arith.constant 16 : i32
    %add3A_33 = arith.constant 1 : i32
    %add3A_34 = arith.addi %mul3A_2, %add3A_33 : i32
    %dma_wait3A = arith.constant 0 : i32
    %dma_wait3A_35 = arith.constant 0 : i32
    %dma_wait3A_36 = arith.constant 0 : i32
    %dma_wait3A_37 = arith.constant 0 : i32
    %dma_wait3A_38 = arith.constant 0 : i32
    %dma_wait3A_39 = tpu.memref_slice %arg5[%dma_wait3A, %dma_wait3A_37, %dma_wait3A_38] : memref<2x32x512xf32, #tpu.memory_space<vmem>> -> memref<1x32x512xf32, #tpu.memory_space<vmem>>
    %dma_wait3A_40 = tpu.memref_squeeze %dma_wait3A_39 : memref<1x32x512xf32, #tpu.memory_space<vmem>> -> memref<32x512xf32, #tpu.memory_space<vmem>>
    %dma_wait3A_41 = arith.constant 448 : i32
    %dma_wait3A_42 = arith.constant 0 : i32
    %dma_wait3A_43 = tpu.memref_slice %arg3[%add3A_34, %dma_wait3A_35, %dma_wait3A_41, %dma_wait3A_42] : memref<64x2x512x512xf32, #tpu.memory_space<hbm>> -> memref<1x1x32x512xf32, #tpu.memory_space<hbm>>
    %dma_wait3A_44 = tpu.memref_squeeze %dma_wait3A_43 : memref<1x1x32x512xf32, #tpu.memory_space<hbm>> -> memref<32x512xf32, #tpu.memory_space<hbm>>
    %dma_wait3A_45 = tpu.memref_slice %arg8[%dma_wait3A_36] : memref<2x!tpu.dma_semaphore, #tpu.memory_space<semaphore_mem>> -> memref<1x!tpu.dma_semaphore, #tpu.memory_space<semaphore_mem>>
    %dma_wait3A_46 = tpu.memref_squeeze %dma_wait3A_45 : memref<1x!tpu.dma_semaphore, #tpu.memory_space<semaphore_mem>> -> memref<!tpu.dma_semaphore, #tpu.memory_space<semaphore_mem>>
    %dma_wait3A_47 = arith.constant 448 : i32
    %dma_wait3A_48 = arith.constant 0 : i32
    %dma_wait3A_49 = tpu.memref_slice %arg3[%add3A_34, %dma_wait3A_35, %dma_wait3A_47, %dma_wait3A_48] : memref<64x2x512x512xf32, #tpu.memory_space<hbm>> -> memref<1x1x32x512xf32, #tpu.memory_space<hbm>>
    %dma_wait3A_50 = tpu.memref_squeeze %dma_wait3A_49 : memref<1x1x32x512xf32, #tpu.memory_space<hbm>> -> memref<32x512xf32, #tpu.memory_space<hbm>>
    %dma_wait3A_51 = arith.constant 0 : i32
    %dma_wait3A_52 = arith.constant 0 : i32
    %dma_wait3A_53 = tpu.memref_slice %arg5[%dma_wait3A, %dma_wait3A_51, %dma_wait3A_52] : memref<2x32x512xf32, #tpu.memory_space<vmem>> -> memref<1x32x512xf32, #tpu.memory_space<vmem>>
    %dma_wait3A_54 = tpu.memref_squeeze %dma_wait3A_53 : memref<1x32x512xf32, #tpu.memory_space<vmem>> -> memref<32x512xf32, #tpu.memory_space<vmem>>
    tpu.wait_dma2 semaphore(%dma_wait3A_46 : memref<!tpu.dma_semaphore, #tpu.memory_space<semaphore_mem>>) src(%dma_wait3A_54 : memref<32x512xf32, #tpu.memory_space<vmem>>) dst(%dma_wait3A_50 : memref<32x512xf32, #tpu.memory_space<hbm>>)
    %add3A_55 = arith.constant 1 : i32
    %add3A_56 = arith.addi %mul3A_2, %add3A_55 : i32
    %dma_wait3A_57 = arith.constant 0 : i32
    %dma_wait3A_58 = arith.constant 1 : i32
    %dma_wait3A_59 = arith.constant 0 : i32
    %dma_wait3A_60 = arith.constant 0 : i32
    %dma_wait3A_61 = arith.constant 0 : i32
    %dma_wait3A_62 = tpu.memref_slice %arg6[%dma_wait3A_57, %dma_wait3A_60, %dma_wait3A_61] : memref<2x32x512xf32, #tpu.memory_space<vmem>> -> memref<1x32x512xf32, #tpu.memory_space<vmem>>
    %dma_wait3A_63 = tpu.memref_squeeze %dma_wait3A_62 : memref<1x32x512xf32, #tpu.memory_space<vmem>> -> memref<32x512xf32, #tpu.memory_space<vmem>>
    %dma_wait3A_64 = arith.constant 448 : i32
    %dma_wait3A_65 = arith.constant 0 : i32
    %dma_wait3A_66 = tpu.memref_slice %arg3[%add3A_56, %dma_wait3A_58, %dma_wait3A_64, %dma_wait3A_65] : memref<64x2x512x512xf32, #tpu.memory_space<hbm>> -> memref<1x1x32x512xf32, #tpu.memory_space<hbm>>
    %dma_wait3A_67 = tpu.memref_squeeze %dma_wait3A_66 : memref<1x1x32x512xf32, #tpu.memory_space<hbm>> -> memref<32x512xf32, #tpu.memory_space<hbm>>
    %dma_wait3A_68 = tpu.memref_slice %arg9[%dma_wait3A_59] : memref<2x!tpu.dma_semaphore, #tpu.memory_space<semaphore_mem>> -> memref<1x!tpu.dma_semaphore, #tpu.memory_space<semaphore_mem>>
    %dma_wait3A_69 = tpu.memref_squeeze %dma_wait3A_68 : memref<1x!tpu.dma_semaphore, #tpu.memory_space<semaphore_mem>> -> memref<!tpu.dma_semaphore, #tpu.memory_space<semaphore_mem>>
    %dma_wait3A_70 = arith.constant 448 : i32
    %dma_wait3A_71 = arith.constant 0 : i32
    %dma_wait3A_72 = tpu.memref_slice %arg3[%add3A_56, %dma_wait3A_58, %dma_wait3A_70, %dma_wait3A_71] : memref<64x2x512x512xf32, #tpu.memory_space<hbm>> -> memref<1x1x32x512xf32, #tpu.memory_space<hbm>>
    %dma_wait3A_73 = tpu.memref_squeeze %dma_wait3A_72 : memref<1x1x32x512xf32, #tpu.memory_space<hbm>> -> memref<32x512xf32, #tpu.memory_space<hbm>>
    %dma_wait3A_74 = arith.constant 0 : i32
    %dma_wait3A_75 = arith.constant 0 : i32
    %dma_wait3A_76 = tpu.memref_slice %arg6[%dma_wait3A_57, %dma_wait3A_74, %dma_wait3A_75] : memref<2x32x512xf32, #tpu.memory_space<vmem>> -> memref<1x32x512xf32, #tpu.memory_space<vmem>>
    %dma_wait3A_77 = tpu.memref_squeeze %dma_wait3A_76 : memref<1x32x512xf32, #tpu.memory_space<vmem>> -> memref<32x512xf32, #tpu.memory_space<vmem>>
    tpu.wait_dma2 semaphore(%dma_wait3A_69 : memref<!tpu.dma_semaphore, #tpu.memory_space<semaphore_mem>>) src(%dma_wait3A_77 : memref<32x512xf32, #tpu.memory_space<vmem>>) dst(%dma_wait3A_73 : memref<32x512xf32, #tpu.memory_space<hbm>>)
    %add3A_78 = arith.constant 1 : i32
    %add3A_79 = arith.addi %mul3A_2, %add3A_78 : i32
    %dma_wait3A_80 = arith.constant 1 : i32
    %dma_wait3A_81 = arith.constant 0 : i32
    %dma_wait3A_82 = arith.constant 1 : i32
    %dma_wait3A_83 = arith.constant 0 : i32
    %dma_wait3A_84 = arith.constant 0 : i32
    %dma_wait3A_85 = tpu.memref_slice %arg5[%dma_wait3A_80, %dma_wait3A_83, %dma_wait3A_84] : memref<2x32x512xf32, #tpu.memory_space<vmem>> -> memref<1x32x512xf32, #tpu.memory_space<vmem>>
    %dma_wait3A_86 = tpu.memref_squeeze %dma_wait3A_85 : memref<1x32x512xf32, #tpu.memory_space<vmem>> -> memref<32x512xf32, #tpu.memory_space<vmem>>
    %dma_wait3A_87 = arith.constant 480 : i32
    %dma_wait3A_88 = arith.constant 0 : i32
    %dma_wait3A_89 = tpu.memref_slice %arg3[%add3A_79, %dma_wait3A_81, %dma_wait3A_87, %dma_wait3A_88] : memref<64x2x512x512xf32, #tpu.memory_space<hbm>> -> memref<1x1x32x512xf32, #tpu.memory_space<hbm>>
    %dma_wait3A_90 = tpu.memref_squeeze %dma_wait3A_89 : memref<1x1x32x512xf32, #tpu.memory_space<hbm>> -> memref<32x512xf32, #tpu.memory_space<hbm>>
    %dma_wait3A_91 = tpu.memref_slice %arg8[%dma_wait3A_82] : memref<2x!tpu.dma_semaphore, #tpu.memory_space<semaphore_mem>> -> memref<1x!tpu.dma_semaphore, #tpu.memory_space<semaphore_mem>>
    %dma_wait3A_92 = tpu.memref_squeeze %dma_wait3A_91 : memref<1x!tpu.dma_semaphore, #tpu.memory_space<semaphore_mem>> -> memref<!tpu.dma_semaphore, #tpu.memory_space<semaphore_mem>>
    %dma_wait3A_93 = arith.constant 480 : i32
    %dma_wait3A_94 = arith.constant 0 : i32
    %dma_wait3A_95 = tpu.memref_slice %arg3[%add3A_79, %dma_wait3A_81, %dma_wait3A_93, %dma_wait3A_94] : memref<64x2x512x512xf32, #tpu.memory_space<hbm>> -> memref<1x1x32x512xf32, #tpu.memory_space<hbm>>
    %dma_wait3A_96 = tpu.memref_squeeze %dma_wait3A_95 : memref<1x1x32x512xf32, #tpu.memory_space<hbm>> -> memref<32x512xf32, #tpu.memory_space<hbm>>
    %dma_wait3A_97 = arith.constant 0 : i32
    %dma_wait3A_98 = arith.constant 0 : i32
    %dma_wait3A_99 = tpu.memref_slice %arg5[%dma_wait3A_80, %dma_wait3A_97, %dma_wait3A_98] : memref<2x32x512xf32, #tpu.memory_space<vmem>> -> memref<1x32x512xf32, #tpu.memory_space<vmem>>
    %dma_wait3A_100 = tpu.memref_squeeze %dma_wait3A_99 : memref<1x32x512xf32, #tpu.memory_space<vmem>> -> memref<32x512xf32, #tpu.memory_space<vmem>>
    tpu.wait_dma2 semaphore(%dma_wait3A_92 : memref<!tpu.dma_semaphore, #tpu.memory_space<semaphore_mem>>) src(%dma_wait3A_100 : memref<32x512xf32, #tpu.memory_space<vmem>>) dst(%dma_wait3A_96 : memref<32x512xf32, #tpu.memory_space<hbm>>)
    %add3A_101 = arith.constant 1 : i32
    %add3A_102 = arith.addi %mul3A_2, %add3A_101 : i32
    %dma_wait3A_103 = arith.constant 1 : i32
    %dma_wait3A_104 = arith.constant 1 : i32
    %dma_wait3A_105 = arith.constant 1 : i32
    %dma_wait3A_106 = arith.constant 0 : i32
    %dma_wait3A_107 = arith.constant 0 : i32
    %dma_wait3A_108 = tpu.memref_slice %arg6[%dma_wait3A_103, %dma_wait3A_106, %dma_wait3A_107] : memref<2x32x512xf32, #tpu.memory_space<vmem>> -> memref<1x32x512xf32, #tpu.memory_space<vmem>>
    %dma_wait3A_109 = tpu.memref_squeeze %dma_wait3A_108 : memref<1x32x512xf32, #tpu.memory_space<vmem>> -> memref<32x512xf32, #tpu.memory_space<vmem>>
    %dma_wait3A_110 = arith.constant 480 : i32
    %dma_wait3A_111 = arith.constant 0 : i32
    %dma_wait3A_112 = tpu.memref_slice %arg3[%add3A_102, %dma_wait3A_104, %dma_wait3A_110, %dma_wait3A_111] : memref<64x2x512x512xf32, #tpu.memory_space<hbm>> -> memref<1x1x32x512xf32, #tpu.memory_space<hbm>>
    %dma_wait3A_113 = tpu.memref_squeeze %dma_wait3A_112 : memref<1x1x32x512xf32, #tpu.memory_space<hbm>> -> memref<32x512xf32, #tpu.memory_space<hbm>>
    %dma_wait3A_114 = tpu.memref_slice %arg9[%dma_wait3A_105] : memref<2x!tpu.dma_semaphore, #tpu.memory_space<semaphore_mem>> -> memref<1x!tpu.dma_semaphore, #tpu.memory_space<semaphore_mem>>
    %dma_wait3A_115 = tpu.memref_squeeze %dma_wait3A_114 : memref<1x!tpu.dma_semaphore, #tpu.memory_space<semaphore_mem>> -> memref<!tpu.dma_semaphore, #tpu.memory_space<semaphore_mem>>
    %dma_wait3A_116 = arith.constant 480 : i32
    %dma_wait3A_117 = arith.constant 0 : i32
    %dma_wait3A_118 = tpu.memref_slice %arg3[%add3A_102, %dma_wait3A_104, %dma_wait3A_116, %dma_wait3A_117] : memref<64x2x512x512xf32, #tpu.memory_space<hbm>> -> memref<1x1x32x512xf32, #tpu.memory_space<hbm>>
    %dma_wait3A_119 = tpu.memref_squeeze %dma_wait3A_118 : memref<1x1x32x512xf32, #tpu.memory_space<hbm>> -> memref<32x512xf32, #tpu.memory_space<hbm>>
    %dma_wait3A_120 = arith.constant 0 : i32
    %dma_wait3A_121 = arith.constant 0 : i32
    %dma_wait3A_122 = tpu.memref_slice %arg6[%dma_wait3A_103, %dma_wait3A_120, %dma_wait3A_121] : memref<2x32x512xf32, #tpu.memory_space<vmem>> -> memref<1x32x512xf32, #tpu.memory_space<vmem>>
    %dma_wait3A_123 = tpu.memref_squeeze %dma_wait3A_122 : memref<1x32x512xf32, #tpu.memory_space<vmem>> -> memref<32x512xf32, #tpu.memory_space<vmem>>
    tpu.wait_dma2 semaphore(%dma_wait3A_115 : memref<!tpu.dma_semaphore, #tpu.memory_space<semaphore_mem>>) src(%dma_wait3A_123 : memref<32x512xf32, #tpu.memory_space<vmem>>) dst(%dma_wait3A_119 : memref<32x512xf32, #tpu.memory_space<hbm>>)
    return
  }
}

</mosaic_0001>

<sc_bundles>
// kernel: kernel.3.cloned.1.call-start
scs
__scs_entry_jumppad:
0x0: {  	(pc) =	sbr.rel $0x88, $3  }
0x1: {  	(tag) =	ssettag $0x0;
	lr =	simm.s32 $0x1  }
0x2: {  	[smem:$0x3FA0] =	sst lr;
	_ =	strace $0xD0000000  }
0x3: {  	_ = 	snop  }
0x4: {  	_ = 	snop  }
0x5: {  	_ = 	snop  }
0x6: {  	_ = 	snop  }
0x7: {  	_ = 	snop  }
__scs_overlays_trampoline_lowered:
0x8: {  	[smem:$0x3FAF] =	sst s0  }
0x9: {  	[smem:$0x3FB0] =	sst s1  }
0xa: {  	[smem:$0x3FB1] =	sst s2  }
0xb: {  	[smem:$0x3FB2] =	sst s3  }
0xc: {  	[smem:$0x3FB3] =	sst s4  }
0xd: {  	[smem:$0x3FB4] =	sst s5  }
0xe: {  	[smem:$0x3FB5] =	sst s6  }
0xf: {  	[smem:$0x3FB6] =	sst s7  }
0x10: {  	[smem:$0x3FB7] =	sst s8  }
0x11: {  	[smem:$0x3FB8] =	sst s9;
	s0 =	simm.s32 @!p0 $0x0  }
0x12: {  	s1 =	sld [smem:$0x3F9E];
	s0 =	simm.s32 @p0 $0x1  }
0x13: {  	[smem:$0x3FB9] =	sst s0;
	s0 =	simm.s32 @!p1 $0x0  }
0x14: {  	s2 =	sld [smem:$0x3F9D];
	s0 =	simm.s32 @p1 $0x1  }
0x15: {  	[smem:$0x3FBA] =	sst s0;
	s0 =	simm.s32 @!p2 $0x0  }
0x16: {  	s3 =	sld [smem:$0x3FDB];
	s0 =	simm.s32 @p2 $0x1  }
0x17: {  	s4 =	simm.s32 $0x1BF5;
	[smem:$0x3FBC] =	sst s0  }
0x18: {  	s0 =	sld [smem:$0x3F9F];
	_ =	swait.ge [sflag:s4], $0x0  }
0x19: {  	s7 =	sld [smem:$0x3FA0]  }
0x1a: {  	s8 =	sadd.s32 $0xFFFFE003, lr  }
0x1b: {  	s9 =	sadd.s32 $0xFFFFFEF7, lr;
	s5 =	simm.s32 $0xFFFFFFFF;
	p2 =	slt.u32 s8, $0xFFFFF086  }
0x1c: {  	p1 =	slt.u32 s9, $0xF7A;
	s5 =	simm.s32 @!p2 $0x0  }
0x1d: {  	s5 =	simm.s32 @p1 $0x1;
	p0 =	seq.s32 s7, s2  }
0x1e: {  	s7 =	smul.u32 @!p0 $0xF7A, s2;
	p2 =	seq.s32 @!p0 s5, $0x0  }
0x1f: {  	s9 =	smul.u32 $0xF7A, s1;
	s8 =	simm.s32 @!p0 $0x1BF5;
	p2 =	por !p2, p0  }
0x20: {  	[sflag:s8] =	ssyncset.s32 @!p0 $0xFFFFF086;
	s6 =	sadd.s32 @!p0 s3, s7;
	s7 =	simm.s32 @!p0 $0x108  }
0x21: {  	s3 =	sadd.s32 s3, s9;
	s6 =	sadd.s32 @!p0 $0x88, s6;
	s7 =	simm.s32 @p2 $0x1082  }
0x22: {  	[simem:s7], [sflag:s8] =	dma.local @!p0 [hbm:s6], $0xF7A  }
0x23: {  	s9 =	sor.u32 $0xD0000000, s2;
	s6 =	simm.s32 $0x108;
	_ =	swait.ge @!p0 [sflag:s8], $0x0  }
0x24: {  	s3 =	sadd.s32 $0x88, s3;
	s6 =	simm.s32 @!p1 $0x1082;
	[sflag:s4] =	ssyncset.s32 $0xFFFFF086  }
0x25: {  	[simem:s6], [sflag:s4] =	dma.local [hbm:s3], $0xF7A  }
0x26: {  	[smem:$0x3FA0] =	sst s1;
	(tag) =	ssettag s2;
	_ =	strace s9  }
0x27: {  	s1 =	sld [smem:$0x3FB0]  }
0x28: {  	s2 =	sld [smem:$0x3FB1]  }
0x29: {  	s4 =	sld [smem:$0x3FB3]  }
0x2a: {  	p0 =	seq.s32 s5, $0x0;
	s5 =	sld [smem:$0x3FB4]  }
0x2b: {  	s6 =	sld [smem:$0x3FB5]  }
0x2c: {  	s7 =	sld [smem:$0x3FB6]  }
0x2d: {  	s3 =	simm.s32 $0x108;
	s8 =	sld [smem:$0x3FB7]  }
0x2e: {  	s3 =	simm.s32 @!p0 $0x1082;
	s9 =	sld [smem:$0x3FB8]  }
0x2f: {  	lr =	sadd.s32 s0, s3;
	s0 =	sld [smem:$0x3FAF]  }
0x30: {  	s3 =	sld [smem:$0x3FB2]  }
0x31: {  	[smem:$0x3FBB] =	sst s10  }
0x32: {  	s10 =	sld [smem:$0x3FB9];
	_ =	sdelay $0x3  }
0x33: {  	p0 =	seq.s32 s10, $0x1;
	s10 =	sld [smem:$0x3FBB];
	_ =	sdelay $0x3  }
0x34: {  	[smem:$0x3FBB] =	sst s10  }
0x35: {  	s10 =	sld [smem:$0x3FBA];
	_ =	sdelay $0x3  }
0x36: {  	p1 =	seq.s32 s10, $0x1;
	s10 =	sld [smem:$0x3FBB];
	_ =	sdelay $0x3  }
0x37: {  	[smem:$0x3FBB] =	sst s10  }
0x38: {  	s10 =	sld [smem:$0x3FBC]  }
0x39: {  	_ = 	snop;
	(pc) =	sbr.ind lr, $3  }
0x3a: {  	_ = 	snop  }
0x3b: {  	_ = 	snop  }
0x3c: {  	p2 =	seq.s32 s10, $0x1;
	s10 =	sld [smem:$0x3FBB]  }
0x3d: {  	_ =	shalt  }
0x3e: {  	_ =	shalt  }
0x3f: {  	_ =	shalt  }
0x40: {  	_ =	shalt  }
0x41: {  	_ =	shalt  }
0x42: {  	_ =	shalt  }
0x43: {  	_ =	shalt  }
0x44: {  	_ =	shalt  }
0x45: {  	_ =	shalt  }
0x46: {  	_ =	shalt  }
0x47: {  	_ =	shalt  }
0x48: {  	_ =	shalt  }
0x49: {  	_ =	shalt  }
0x4a: {  	_ =	shalt  }
0x4b: {  	_ =	shalt  }
0x4c: {  	_ =	shalt  }
0x4d: {  	_ =	shalt  }
0x4e: {  	_ =	shalt  }
0x4f: {  	_ =	shalt  }
0x50: {  	_ =	shalt  }
0x51: {  	_ =	shalt  }
0x52: {  	_ =	shalt  }
0x53: {  	_ =	shalt  }
0x54: {  	_ =	shalt  }
0x55: {  	_ =	shalt  }
0x56: {  	_ =	shalt  }
0x57: {  	_ =	shalt  }
0x58: {  	_ =	shalt  }
0x59: {  	_ =	shalt  }
0x5a: {  	_ =	shalt  }
0x5b: {  	_ =	shalt  }
0x5c: {  	_ =	shalt  }
0x5d: {  	_ =	shalt  }
0x5e: {  	_ =	shalt  }
0x5f: {  	_ =	shalt  }
0x60: {  	_ =	shalt  }
0x61: {  	_ =	shalt  }
0x62: {  	_ =	shalt  }
0x63: {  	_ =	shalt  }
0x64: {  	_ =	shalt  }
0x65: {  	_ =	shalt  }
0x66: {  	_ =	shalt  }
0x67: {  	_ =	shalt  }
0x68: {  	_ =	shalt  }
0x69: {  	_ =	shalt  }
0x6a: {  	_ =	shalt  }
0x6b: {  	_ =	shalt  }
0x6c: {  	_ =	shalt  }
0x6d: {  	_ =	shalt  }
0x6e: {  	_ =	shalt  }
0x6f: {  	_ =	shalt  }
0x70: {  	_ =	shalt  }
0x71: {  	_ =	shalt  }
0x72: {  	_ =	shalt  }
0x73: {  	_ =	shalt  }
0x74: {  	_ =	shalt  }
0x75: {  	_ =	shalt  }
0x76: {  	_ =	shalt  }
0x77: {  	_ =	shalt  }
0x78: {  	_ =	shalt  }
0x79: {  	_ =	shalt  }
0x7a: {  	_ =	shalt  }
0x7b: {  	_ =	shalt  }
0x7c: {  	_ =	shalt  }
0x7d: {  	_ =	shalt  }
0x7e: {  	_ =	shalt  }
0x7f: {  	_ =	shalt  }
0x80: {  	_ =	shalt  }
0x81: {  	_ =	shalt  }
0x82: {  	_ =	shalt  }
0x83: {  	_ =	shalt  }
0x84: {  	_ =	shalt  }
0x85: {  	_ =	shalt  }
0x86: {  	_ =	shalt  }
0x87: {  	_ =	shalt  }
.Lfunc_end0:
.L_simem_size_0:
called_computation_lowered:
.L_overlay_start_0:
0x88: {  	s2 =	sld [smem:$0x3FD9]  }
0x89: {  	s3 =	sld [smem:$0x3FFE];
	_ =	sdelay $0x1  }
0x8a: {  	s1 =	srdreg.scid  }
0x8b: {  	s0 =	sand.u32 $0x1, s1  }
0x8c: {  	s18 =	sshll.u32 s0, $0xA;
	s2 =	sadd.s32 s3, s2  }
0x8d: {  	s2 =	sadd.s32 s2, s18  }
0x8e: {  	[smem:$0x3FC7] =	sst s2  }
0x8f: {  	_ = 	snop  }
0x90: {  	s2 =	sld [smem:$0x3FC9]  }
0x91: {  	s19 =	sld [smem:$0x3FD0];
	(tm) =	ssettm $0x1  }
0x92: {  	s4 =	sld [smem:$0x3FFB];
	_ =	sdelay $0x3  }
0x93: {  	_ =	strace s4  }
0x94: {  	s4 =	sld [smem:$0x3FFC];
	_ =	sdelay $0x3  }
0x95: {  	_ =	strace s4  }
0x96: {  	s4 =	sld [smem:$0x3FFD];
	_ =	sdelay $0x3  }
0x97: {  	_ =	strace s4  }
0x98: {  	_ =	strace $0x8FFFFFFF  }
0x99: {  	s20 =	sld [smem:$0x3FDB];
	_ =	sdelay $0x1  }
0x9a: {  	s5 =	simm.s32 $_scs_section_size  }
0x9b: {  	s6 =	simm.s32 $_size__tile_overlayer_lowered;
	s7 =	simm.s32 $_tile_overlayer_lowered  }
0x9c: {  	s23 =	simm.s32 $0x1BFF;
	s22 =	sshll.u32 s7, $0x1;
	s4 =	sadd.s32 s5, s20  }
0x9d: {  	s8 =	simm.s32 $0x0;
	s21 =	sshll.u32 s6, $0x1;
	s6 =	sadd.s32 s22, s4  }
0x9e: {  	[timem:s8], [sflag:s23] =	dma.local [hbm:s6], s21  }
0x9f: {  	_ =	swait.ge [sflag:s23], s21  }
0xa0: {  	s5 =	ssub.s32 $0x0, s21;
	[sflag:s23] =	ssyncset.done $0x0  }
0xa1: {  	[sflag:s23] =	ssyncadd.s32 s5;
	_ =	sdelay $0x1  }
0xa2: {  	s24 =	simm.s32 $0x1B8B  }
0xa3: {  	_ =	swait.ge [sflag:s24], $0x1  }
0xa4: {  	[sflag:s24] =	ssyncset.done $0x0  }
0xa5: {  	s25 =	simm.s32 $0x1B8E;
	[sflag:s24] =	ssyncadd.s32 $0xFFFFFFFF  }
0xa6: {  	s26 =	simm.s32 $execute0_lowered;
	[smem:$0x3FD2] =	sst s25  }
0xa7: {  	s5 =	sshll.u32 s26, $0x1;
	_ =	strace $0x80000046;
	[dreg:$0x1] =	wrdreg $0xFFFFFFFF  }
0xa8: {  	s28 =	simm.s32 $_size_execute0_lowered;
	s4 =	sadd.s32 s4, s5;
	[dreg:$0x0] =	wrdreg $0x0  }
0xa9: {  	s5 =	sshll.u32 s28, $0x1;
	[dreg:$0x2] =	wrdreg s4  }
0xaa: {  	[dreg:$0x3] =	wrdreg s5  }
0xab: {  	[dreg:$0x4] =	wrdreg $0xC0  }
0xac: {  	_ =	task [dreg:s8], $0x5FFFF  }
0xad: {  	[dreg:$0x1] =	wrdreg $0xFFFFFFFF  }
0xae: {  	[dreg:$0x0] =	wrdreg $0x60  }
0xaf: {  	[dreg:$0x2] =	wrdreg s2  }
0xb0: {  	[dreg:$0x3] =	wrdreg s19  }
0xb1: {  	[dreg:$0x4] =	wrdreg $0x9  }
0xb2: {  	_ =	task.clear_ibuf [dreg:s8], $0x5FFFF;
	_ =	strace $0x90000046  }
0xb3: {  	s29 =	simm.s32 $0x9;
	_ =	strace $0x80000048  }
0xb4: {  	_ =	swait.ge [sflag:s29], $0x1  }
0xb5: {  	[sflag:s29] =	ssyncadd.s32 $0xFFFFFFFF  }
0xb6: {  	_ =	strace $0x90000048  }
0xb7: {  	_ =	sfence  }
0xb8: {  	s30 =	sld [smem:$0x0];
	_ =	sdelay $0x2  }
0xb9: {  	s31 =	sshll.u32 s1, $0xD;
	s1 =	sshrl.u32 s1, $0x2  }
0xba: {  	s3 =	sand.u32 $0x4000, s31;
	s1 =	sadd.s32 s1, s30  }
0xbb: {  	s0 =	sor.u32 s3, s0;
	s1 =	sshll.u32 s1, $0x11  }
0xbc: {  	s0 =	sor.u32 s1, s0  }
0xbd: {  	s0 =	sadd.s32 $0x8F2B, s0  }
0xbe: {  	[sflag:s0] =	ssyncadd.remote.s32 $0x1  }
0xbf: {  	_ =	sfence.sel $0xFFFF  }
0xc0: {  	[dreg:$0x0] =	wrdreg $0xFFFFFFFF;
	(pc) =	sbr.abs _section_cstart, $3  }
0xc1: {  	[dreg:$0x1] =	wrdreg $0xFFFFFFFF  }
0xc2: {  	_ =	task.clear_ibuf [dreg:s8], $0x2FFFF;
	_ =	strace $0x9FFFFFFF  }
0xc3: {  	(tm) =	ssettm $0x7FFFFFFF  }
tec
execute0_lowered:
.L_overlay_start_1:
0x0: {  	(tag) =	ssettag $0x1  }
0x1: {  	s1 =	rddreg [dreg:$0x0]  }
0x2: {  	s3 =	rddreg [dreg:$0x1];
	s0 =	srdreg.scid;
	s4 =	simm.s32 $0x0  }
0x3: {  	s5 =	stileid.u32;
	s9 =	simm.s32 $0x4000;
	s10 =	simm.s32 $0x1  }
0x4: {  	s11 =	simm.s32 $0x8000;
	s12 =	simm.s32 $0x10000;
	s13 =	simm.s32 $0x2  }
0x5: {  	s14 =	simm.s32 $0x4;
	s15 =	simm.s32 $0x6;
	s16 =	simm.s32 $0xC000  }
0x6: {  	s17 =	simm.s32 $0x14000;
	s18 =	simm.s32 $0x3;
	s0 =	sand.u32 $0x1, s0  }
0x7: {  	s5 =	sshll.u32 s5, $0x2;
	s2 =	ssub.s32 $0x2, s0;
	s0 =	sshll.u32 s0, $0x1  }
0x8: {  	s19 =	simm.s32 $0x5;
	s20 =	simm.s32 $0x0;
	s5 =	sor.u32 s0, s5  }
0x9: {  	[smem:$0x7FF] =	sst s4;
	s6 =	sshrl.u32 s2, $0x1;
	s31 =	sshll.u32 s5, $0xF  }
0xa: {  	s7 =	sadd.s32 $0x8000, s3;
	s30 =	ssub.s32 s2, s6;
	s2 =	sadd.s32 s1, s31  }
0xb: {  	v0 =	vimm.f32 $0.0e+00;
	_ =	strace $0x80000047;
	s8 =	smax.u32 s30, $0x1;
	[dreg:$0x3] =	wrdreg s2  }
.LBB2_1:
0xc: {  	s0 =	rddreg [dreg:$0x3];
	s21 =	simm.s32 $0x0  }
0xd: {  	[tilespmem:s4], [sflag:$0x1] =	stream.linear.gather [hbm4b:s0+s4], $0x4000, $0x38;
	[tilespmem:$0x18000] =	vst v63  }
.LBB2_2:
0xe: {  	s0 =	sshrl.u32 s21, $0x3  }
0xf: {  	s22 =	sshllo.u32 s21, $0x1;
	s23 =	sor.u32 s5, s0  }
0x10: {  	s2 =	sshll.u32 s22, $0xB;
	s0 =	sshll.u32 s23, $0xF  }
0x11: {  	s2 =	sand.u32 $0x7800, s2;
	s0 =	sadd.s32 s1, s0  }
0x12: {  	s0 =	sadd.s32 s2, s0  }
0x13: {  	[tilespmem:s9], [sflag:$0x2] =	stream.linear.gather [hbm4b:s0+s4], $0x4000, $0x38;
	[tilespmem:$0x18000] =	vst v63  }
0x14: {  	_ =	swait.ge [sflag:s10], $0x4000  }
0x15: {  	p0 =	seq.s32 s21, $0x0;
	[sflag:s10] =	ssyncset.done $0x0  }
0x16: {  	s0 =	simm.s32 @!p0 $0x3;
	[sflag:s10] =	ssyncadd.s32 $0xFFFFC000  }
0x17: {  	_ =	swait.ge @!p0 [sflag:s0], $0x4000  }
0x18: {  	[sflag:s0] =	ssyncset.done @!p0 $0x0  }
0x19: {  	[sflag:s0] =	ssyncadd.s32 @!p0 $0xFFFFC000;
	s0 =	simm.s32 @!p0 $0x5  }
0x1a: {  	_ =	swait.ge @!p0 [sflag:s0], $0x4000  }
0x1b: {  	s24 =	sshll.u32 s21, $0x1;
	s25 =	simm.s32 $0x0;
	[sflag:s0] =	ssyncset.done @!p0 $0x0  }
0x1c: {  	s26 =	simm.s32 $0x0;
	s28 =	simm.s32 $0x0;
	[sflag:s0] =	ssyncadd.s32 @!p0 $0xFFFFC000  }
.LBB2_3:
0x1d: {  	s0 =	sshll.u32 s26, $0x2;
	s2 =	sand.u32 $0x7, s25  }
0x1e: {  	s0 =	sand.u32 $0xFFFFC000, s0;
	s2 =	sshll.u32 s2, $0x9  }
0x1f: {  	s0 =	sor.u32 s2, s0  }
0x20: {  	s0 =	sshrl.u32 s0, $0x2  }
0x21: {  	s2 =	sor.u32 $0x40, s0  }
0x22: {  	v1 =	vld [tilespmem:s2+$0xFFFFFFC0]  }
0x23: {  	v2 =	vld [tilespmem:s2+$0x30]  }
0x24: {  	v4 =	vld [tilespmem:s2+$0xFFFFFFD0]  }
0x25: {  	v3 =	vld [tilespmem:s2+$0x0];
	_ =	sdelay $0x2  }
0x26: {  	vm0 =	vgt.f32 v1, $0.0e+00;
	vm1 =	veq.f32 v1, $0.0e+00  }
0x27: {  	v7 =	vld [tilespmem:s2+$0x10];
	vm2 =	veq.f32 v1, $2.500000000e-01;
	vm3 =	veq.f32 v2, $0.0e+00;
	vm4 =	veq.f32 v4, $2.500000000e-01  }
0x28: {  	vm5 =	vgt.f32 v3, $0.0e+00;
	v5 =	vsel vm0, $0x3F800000, v0;
	vm0 =	veq.f32 v2, $2.500000000e-01  }
0x29: {  	vm1 =	vmor vm1, vm2;
	vm2 =	vgt.f32 v2, $0.0e+00;
	vm6 =	vmor vm3, vm0  }
0x2a: {  	v1 =	vld [tilespmem:s2+$0xFFFFFFF0];
	v6 =	vsel vm1, $0x3F800000, v0;
	vm0 =	veq.f32 v4, $0.0e+00;
	vm1 =	veq.f32 v3, $2.500000000e-01  }
0x2b: {  	s6 =	sadd.s32 $0x8040, s0;
	v2 =	vld [tilespmem:s2+$0x20];
	vm3 =	vgt.f32 v4, $0.0e+00;
	v8 =	vsel vm2, $0x3F800000, v0;
	vm2 =	veq.f32 v3, $0.0e+00  }
0x2c: {  	s31 =	sadd.s32 $0x10040, s0;
	[tilespmem:s6+$0xFFFFFFC0] =	vst v5;
	v5 =	vld [tilespmem:s2+$0xFFFFFFE0];
	vm0 =	vmor vm0, vm4;
	v4 =	vsel vm3, $0x3F800000, v0;
	vm3 =	vgt.f32 v7, $0.0e+00  }
0x2d: {  	vm4 =	veq.f32 v7, $0.0e+00;
	[tilespmem:s31+$0xFFFFFFC0] =	vst v6;
	vm1 =	vmor vm2, vm1;
	v9 =	vsel vm0, $0x3F800000, v0  }
0x2e: {  	[tilespmem:s6+$0xFFFFFFD0] =	vst v4;
	v4 =	vsel vm5, $0x3F800000, v0;
	v6 =	vsel vm3, $0x3F800000, v0;
	vm3 =	veq.f32 v7, $2.500000000e-01  }
0x2f: {  	s0 =	simm.s32 $0x0;
	[tilespmem:s6+$0x30] =	vst v8;
	v7 =	vsel vm6, $0x3F800000, v0;
	vm0 =	veq.f32 v1, $2.500000000e-01;
	vm3 =	vmor vm4, vm3  }
0x30: {  	s29 =	smov.u32 s6;
	s30 =	smov.u32 s31;
	s2 =	sadd.s32 $0x400, s2;
	[tilespmem:s31+$0xFFFFFFD0] =	vst v9;
	vm2 =	vgt.f32 v2, $0.0e+00;
	v3 =	vsel vm3, $0x3F800000, v0;
	vm3 =	veq.f32 v2, $0.0e+00  }
.LBB2_4:
0x31: {  	v8 =	vld [tilespmem:s2+$0xFFFFFFC0];
	s0 =	sadd.s32 $0x8, s0;
	vm4 =	vgt.f32 v5, $0.0e+00;
	vm5 =	veq.f32 v5, $0.0e+00;
	[tilespmem:s6+$0x10] =	vst v6;
	vm6 =	veq.f32 v2, $2.500000000e-01;
	s29 =	sadd.s32 $0x400, s29;
	s31 =	sadd.s32 $0x400, s31  }
0x32: {  	v2 =	vld [tilespmem:s2+$0x30];
	p1 =	slt.u32 s0, $0x18;
	v6 =	vsel vm4, $0x3F800000, v0;
	vm4 =	veq.f32 v5, $2.500000000e-01;
	[tilespmem:s6+$0x0] =	vst v4;
	vm3 =	vmor vm3, vm6  }
0x33: {  	vm6 =	veq.f32 v1, $0.0e+00;
	v4 =	vld [tilespmem:s2+$0x0];
	vm4 =	vmor vm5, vm4;
	vm5 =	vgt.f32 v1, $0.0e+00;
	[tilespmem:s30+$0x30] =	vst v7  }
0x34: {  	v9 =	vsel vm3, $0x3F800000, v0;
	v5 =	vld [tilespmem:s2+$0xFFFFFFD0];
	[tilespmem:s6+$0xFFFFFFE0] =	vst v6;
	v6 =	vsel vm4, $0x3F800000, v0;
	v7 =	vsel vm5, $0x3F800000, v0  }
0x35: {  	v10 =	vsel vm2, $0x3F800000, v0;
	vm0 =	vmor vm6, vm0;
	v1 =	vld [tilespmem:s2+$0xFFFFFFF0];
	[tilespmem:s6+$0xFFFFFFF0] =	vst v7;
	v7 =	vsel vm1, $0x3F800000, v0  }
0x36: {  	vm1 =	vgt.f32 v8, $0.0e+00;
	vm2 =	veq.f32 v8, $0.0e+00;
	vm3 =	veq.f32 v8, $2.500000000e-01;
	[tilespmem:s6+$0x20] =	vst v10;
	s6 =	smov.u32 s29  }
0x37: {  	v10 =	vsel vm0, $0x3F800000, v0;
	v8 =	vsel vm1, $0x3F800000, v0;
	vm1 =	veq.f32 v2, $2.500000000e-01;
	[tilespmem:s30+$0x0] =	vst v7  }
0x38: {  	vm0 =	vmor vm2, vm3;
	vm2 =	vgt.f32 v2, $0.0e+00;
	vm3 =	veq.f32 v2, $0.0e+00;
	v7 =	vld [tilespmem:s2+$0x10];
	[tilespmem:s30+$0xFFFFFFE0] =	vst v6  }
0x39: {  	vm6 =	vgt.f32 v4, $0.0e+00;
	vm4 =	vmor vm3, vm1;
	vm5 =	veq.f32 v5, $2.500000000e-01;
	v2 =	vld [tilespmem:s2+$0x20];
	[tilespmem:s30+$0x10] =	vst v3  }
0x3a: {  	vm1 =	veq.f32 v4, $2.500000000e-01;
	v3 =	vsel vm0, $0x3F800000, v0;
	vm0 =	veq.f32 v5, $0.0e+00;
	[tilespmem:s30+$0xFFFFFFF0] =	vst v10  }
0x3b: {  	vm3 =	vgt.f32 v5, $0.0e+00;
	vm0 =	vmor vm0, vm5;
	v10 =	vsel vm2, $0x3F800000, v0;
	[tilespmem:s30+$0x20] =	vst v9;
	s30 =	smov.u32 s31  }
.Ltmp0:
0x3c: {  	v6 =	vsel vm3, $0x3F800000, v0;
	vm2 =	veq.f32 v4, $0.0e+00;
	[tilespmem:s29+$0xFFFFFFC0] =	vst v8;
	v8 =	vsel vm0, $0x3F800000, v0;
	v5 =	vld [tilespmem:s2+$0xFFFFFFE0];
	(pc) =	sbr.rel @p1 .LBB2_4-.Ltmp0, $4  }
0x3d: {  	v4 =	vsel vm6, $0x3F800000, v0;
	[tilespmem:s29+$0xFFFFFFD0] =	vst v6;
	vm3 =	vgt.f32 v7, $0.0e+00;
	vm5 =	veq.f32 v7, $0.0e+00  }
0x3e: {  	vm0 =	veq.f32 v1, $2.500000000e-01;
	[tilespmem:s31+$0xFFFFFFC0] =	vst v3;
	v6 =	vsel vm3, $0x3F800000, v0;
	vm3 =	veq.f32 v7, $2.500000000e-01  }
0x3f: {  	vm1 =	vmor vm2, vm1;
	vm2 =	vgt.f32 v2, $0.0e+00;
	vm3 =	vmor vm5, vm3;
	[tilespmem:s29+$0x30] =	vst v10  }
0x40: {  	s2 =	sadd.s32 $0x400, s2;
	v7 =	vsel vm4, $0x3F800000, v0;
	[tilespmem:s31+$0xFFFFFFD0] =	vst v8;
	v3 =	vsel vm3, $0x3F800000, v0;
	vm3 =	veq.f32 v2, $0.0e+00  }
0x41: {  	[tilespmem:s6+$0x10] =	vst v6  }
0x42: {  	[tilespmem:s6+$0x0] =	vst v4  }
0x43: {  	[tilespmem:s30+$0x30] =	vst v7;
	v62 =	vsel vm2, $0x3F800000, v0  }
0x44: {  	v63 =	vsel vm1, $0x3F800000, v0;
	[tilespmem:s6+$0x20] =	vst v62  }
0x45: {  	vm4 =	vgt.f32 v5, $0.0e+00;
	vm10 =	vgt.f32 v1, $0.0e+00;
	s28 =	sadd.s32 $0x1, s28;
	[tilespmem:s30+$0x0] =	vst v63  }
0x46: {  	vm11 =	veq.f32 v5, $0.0e+00;
	vm5 =	veq.f32 v5, $2.500000000e-01;
	v60 =	vsel vm4, $0x3F800000, v0;
	[tilespmem:s30+$0x10] =	vst v3;
	p1 =	sne.s32 s28, $0x20  }
.Ltmp1:
0x47: {  	vm14 =	veq.f32 v2, $2.500000000e-01;
	v61 =	vsel vm10, $0x3F800000, v0;
	vm12 =	vmor vm11, vm5;
	[tilespmem:s6+$0xFFFFFFE0] =	vst v60;
	(pc) =	sbr.rel @p1 .LBB2_3-.Ltmp1, $4  }
0x48: {  	vm13 =	veq.f32 v1, $0.0e+00;
	vm15 =	vmor vm3, vm14;
	[tilespmem:s6+$0xFFFFFFF0] =	vst v61;
	v1 =	vsel vm12, $0x3F800000, v0  }
0x49: {  	vm0 =	vmor vm13, vm0;
	v2 =	vsel vm15, $0x3F800000, v0;
	[tilespmem:s30+$0xFFFFFFE0] =	vst v1  }
0x4a: {  	v1 =	vsel vm0, $0x3F800000, v0;
	[tilespmem:s30+$0x20] =	vst v2  }
0x4b: {  	s26 =	sadd.s32 $0x200, s26;
	s25 =	sadd.s32 $0x1, s25;
	[tilespmem:s30+$0xFFFFFFF0] =	vst v1  }
0x4c: {  	s0 =	sshll.u32 s21, $0xF  }
0x4d: {  	s23 =	sshll.u32 s23, $0x13;
	s0 =	sand.u32 $0x38000, s0  }
0x4e: {  	p1 =	sne.s32 s21, $0xF;
	s0 =	sor.u32 s0, s23  }
.Ltmp2:
0x4f: {  	s0 =	sshrl.u32 s0, $0x3;
	(pc) =	sbr.rel @p1 .LBB2_8-.Ltmp2, $4  }
0x50: {  	s2 =	sadd.s32 s3, s0  }
0x51: {  	[hbm4b:s2+s4] =	stream.linear.scatter [tilespmem:s11], [sflag:$0x3], $0x4000, $0x38;
	[tilespmem:$0x18000] =	vst v63  }
0x52: {  	s0 =	sadd.s32 s0, s7  }
0x53: {  	[hbm4b:s0+s4] =	stream.linear.scatter [tilespmem:s12], [sflag:$0x5], $0x4000, $0x38;
	[tilespmem:$0x18000] =	vst v63  }
.Ltmp3:
0x54: {  	(pc) =	sbr.rel .LBB2_9-.Ltmp3, $4  }
0x55: {  	_ = 	snop  }
0x56: {  	_ =	swait.ge [sflag:s13], $0x4000  }
0x57: {  	[sflag:s13] =	ssyncset.done $0x0  }
0x58: {  	[sflag:s13] =	ssyncadd.s32 $0xFFFFC000  }
.LBB2_8:
0x59: {  	s0 =	sadd.s32 $0x2, s24  }
0x5a: {  	s2 =	sshrl.u32 s0, $0x4;
	s0 =	sshll.u32 s0, $0xB  }
0x5b: {  	s2 =	sadd.s32 s5, s2;
	s0 =	sand.u32 $0x7000, s0  }
0x5c: {  	s2 =	sshll.u32 s2, $0xF;
	s0 =	sadd.s32 s1, s0  }
.Ltmp4:
0x5d: {  	s0 =	sadd.s32 s2, s0;
	(pc) =	sbr.rel @p0 .LBB2_10-.Ltmp4, $4  }
0x5e: {  	[tilespmem:s4], [sflag:$0x1] =	stream.linear.gather [hbm4b:s0+s4], $0x4000, $0x38;
	[tilespmem:$0x18000] =	vst v63  }
0x5f: {  	_ =	swait.ge [sflag:s13], $0x4000  }
0x60: {  	[sflag:s13] =	ssyncset.done $0x0  }
0x61: {  	[sflag:s13] =	ssyncadd.s32 $0xFFFFC000  }
.LBB2_9:
0x62: {  	_ =	swait.ge [sflag:s14], $0x4000  }
0x63: {  	[sflag:s14] =	ssyncset.done $0x0  }
0x64: {  	[sflag:s14] =	ssyncadd.s32 $0xFFFFC000  }
0x65: {  	_ =	swait.ge [sflag:s15], $0x4000  }
0x66: {  	[sflag:s15] =	ssyncset.done $0x0  }
0x67: {  	[sflag:s15] =	ssyncadd.s32 $0xFFFFC000  }
.LBB2_10:
0x68: {  	s24 =	simm.s32 $0x0;
	s25 =	simm.s32 $0x0;
	s26 =	simm.s32 $0x0  }
.LBB2_11:
0x69: {  	s0 =	sand.u32 $0x7, s25  }
0x6a: {  	s0 =	sshll.u32 s0, $0x9  }
0x6b: {  	s0 =	sshrl.u32 s0, $0x2  }
0x6c: {  	v1 =	vmov s0;
	_ =	sdelay $0x3  }
0x6d: {  	s6 =	sand.u32 $0x3FFFF000, s24  }
0x6e: {  	v4 =	vld.idx.msk [tilespmem:v1+s6+$0x4060 ss:$0x1], $0xffff  }
0x6f: {  	v5 =	vld.idx.msk [tilespmem:v1+s6+$0x4050 ss:$0x1], $0xffff  }
0x70: {  	v6 =	vld.idx.msk [tilespmem:v1+s6+$0x4040 ss:$0x1], $0xffff  }
0x71: {  	v7 =	vld.idx.msk [tilespmem:v1+s6+$0x4020 ss:$0x1], $0xffff;
	_ =	sdelay $0x1  }
0x72: {  	v2 =	vld.idx.msk [tilespmem:v1+s6+$0x4070 ss:$0x1], $0xffff  }
0x73: {  	vm0 =	veq.f32 v4, $0.0e+00  }
0x74: {  	v9 =	vld.idx.msk [tilespmem:v1+s6+$0x4010 ss:$0x1], $0xffff;
	vm2 =	veq.f32 v5, $0.0e+00;
	vm3 =	vgt.f32 v6, $0.0e+00;
	vm1 =	veq.f32 v6, $0.0e+00  }
0x75: {  	v3 =	vld.idx.msk [tilespmem:v1+s6+$0x4000 ss:$0x1], $0xffff;
	vm4 =	veq.f32 v6, $2.500000000e-01;
	vm5 =	vgt.f32 v7, $0.0e+00;
	vm7 =	veq.f32 v7, $2.500000000e-01  }
0x76: {  	vm9 =	vgt.f32 v5, $0.0e+00;
	vm10 =	veq.f32 v5, $2.500000000e-01;
	vm6 =	vmor vm1, vm4  }
0x77: {  	v5 =	vld.idx.msk [tilespmem:v1+s6+$0x4030 ss:$0x1], $0xffff;
	v8 =	vsel vm5, $0x3F800000, v0;
	vm4 =	vgt.f32 v2, $0.0e+00;
	vm1 =	veq.f32 v2, $0.0e+00  }
0x78: {  	vm5 =	veq.f32 v7, $0.0e+00;
	v7 =	vsel vm9, $0x3F800000, v0;
	vm9 =	vmor vm2, vm10  }
0x79: {  	s28 =	sadd.s32 $0x8000, s6;
	vm2 =	veq.f32 v9, $0.0e+00;
	v6 =	vsel vm6, $0x3F800000, v0;
	vm6 =	vgt.f32 v9, $0.0e+00  }
0x7a: {  	s31 =	simm.s32 $0x0;
	s30 =	sadd.s32 $0x10000, s6;
	vm8 =	vmor vm5, vm7;
	vm7 =	vgt.f32 v3, $0.0e+00;
	vm5 =	vgt.f32 v4, $0.0e+00;
	[tilespmem:v1+s28+$0x4020 ss:$0x1] =	vst.idx.msk $0xffff, v8  }
0x7b: {  	s2 =	smov.u32 s28;
	s29 =	smov.u32 s30;
	s0 =	sadd.s32 $0x400, s6;
	v8 =	vsel vm3, $0x3F800000, v0;
	vm3 =	veq.f32 v9, $2.500000000e-01;
	[tilespmem:v1+s28+$0x4050 ss:$0x1] =	vst.idx.msk $0xffff, v7;
	v7 =	vsel vm9, $0x3F800000, v0  }
.LBB2_12:
0x7c: {  	v9 =	vld.idx.msk [tilespmem:v1+s0+$0x4060 ss:$0x1], $0xffff;
	s31 =	sadd.s32 $0x8, s31;
	v10 =	vsel vm8, $0x3F800000, v0;
	vm8 =	vgt.f32 v5, $0.0e+00;
	vm9 =	veq.f32 v5, $0.0e+00;
	[tilespmem:v1+s28+$0x4040 ss:$0x1] =	vst.idx.msk $0xffff, v8;
	s2 =	sadd.s32 $0x400, s2;
	s30 =	sadd.s32 $0x400, s30  }
0x7d: {  	vm10 =	veq.f32 v4, $2.500000000e-01;
	v8 =	vld.idx.msk [tilespmem:v1+s0+$0x4050 ss:$0x1], $0xffff;
	p0 =	slt.u32 s31, $0x18;
	[tilespmem:v1+s29+$0x4020 ss:$0x1] =	vst.idx.msk $0xffff, v10;
	v10 =	vsel vm8, $0x3F800000, v0;
	vm8 =	veq.f32 v5, $2.500000000e-01  }
0x7e: {  	v11 =	vld.idx.msk [tilespmem:v1+s0+$0x4040 ss:$0x1], $0xffff;
	vm8 =	vmor vm9, vm8;
	[tilespmem:v1+s29+$0x4040 ss:$0x1] =	vst.idx.msk $0xffff, v6;
	v6 =	vsel vm4, $0x3F800000, v0;
	vm4 =	veq.f32 v2, $2.500000000e-01  }
0x7f: {  	v4 =	vsel vm7, $0x3F800000, v0;
	vm7 =	vmor vm0, vm10;
	v12 =	vld.idx.msk [tilespmem:v1+s0+$0x4020 ss:$0x1], $0xffff;
	[tilespmem:v1+s28+$0x4030 ss:$0x1] =	vst.idx.msk $0xffff, v10;
	v10 =	vsel vm8, $0x3F800000, v0  }
0x80: {  	v13 =	vsel vm6, $0x3F800000, v0;
	vm0 =	vmor vm1, vm4;
	v2 =	vld.idx.msk [tilespmem:v1+s0+$0x4070 ss:$0x1], $0xffff;
	[tilespmem:v1+s29+$0x4050 ss:$0x1] =	vst.idx.msk $0xffff, v7;
	v7 =	vsel vm5, $0x3F800000, v0  }
0x81: {  	vm1 =	veq.f32 v3, $0.0e+00;
	vm4 =	veq.f32 v3, $2.500000000e-01;
	v5 =	vld.idx.msk [tilespmem:v1+s0+$0x4030 ss:$0x1], $0xffff;
	[tilespmem:v1+s28+$0x4010 ss:$0x1] =	vst.idx.msk $0xffff, v13;
	v13 =	vsel vm0, $0x3F800000, v0  }
0x82: {  	v15 =	vsel vm7, $0x3F800000, v0;
	vm1 =	vmor vm1, vm4;
	vm0 =	veq.f32 v9, $0.0e+00;
	v14 =	vld.idx.msk [tilespmem:v1+s0+$0x4010 ss:$0x1], $0xffff;
	[tilespmem:v1+s28+$0x4000 ss:$0x1] =	vst.idx.msk $0xffff, v4;
	v4 =	vmovc v9  }
0x83: {  	vm3 =	vmor vm2, vm3;
	vm9 =	veq.f32 v8, $0.0e+00;
	v9 =	vsel vm1, $0x3F800000, v0;
	v3 =	vld.idx.msk [tilespmem:v1+s0+$0x4000 ss:$0x1], $0xffff;
	[tilespmem:v1+s29+$0x4030 ss:$0x1] =	vst.idx.msk $0xffff, v10  }
0x84: {  	vm2 =	vgt.f32 v11, $0.0e+00;
	vm1 =	veq.f32 v11, $0.0e+00;
	vm4 =	veq.f32 v11, $2.500000000e-01;
	[tilespmem:v1+s28+$0x4070 ss:$0x1] =	vst.idx.msk $0xffff, v6  }
0x85: {  	vm5 =	vgt.f32 v12, $0.0e+00;
	vm7 =	veq.f32 v12, $2.500000000e-01;
	vm6 =	vmor vm1, vm4;
	[tilespmem:v1+s29+$0x4070 ss:$0x1] =	vst.idx.msk $0xffff, v13  }
0x86: {  	v10 =	vsel vm5, $0x3F800000, v0;
	vm4 =	vgt.f32 v2, $0.0e+00;
	vm1 =	veq.f32 v2, $0.0e+00;
	[tilespmem:v1+s29+$0x4000 ss:$0x1] =	vst.idx.msk $0xffff, v9  }
.Ltmp5:
0x87: {  	vm5 =	veq.f32 v12, $0.0e+00;
	v6 =	vsel vm6, $0x3F800000, v0;
	v9 =	vsel vm3, $0x3F800000, v0;
	[tilespmem:v1+s28+$0x4060 ss:$0x1] =	vst.idx.msk $0xffff, v7;
	s28 =	smov.u32 s2;
	(pc) =	sbr.rel @p0 .LBB2_12-.Ltmp5, $4  }
0x88: {  	vm8 =	vmor vm5, vm7;
	vm3 =	vgt.f32 v8, $0.0e+00;
	vm6 =	vgt.f32 v14, $0.0e+00;
	[tilespmem:v1+s29+$0x4060 ss:$0x1] =	vst.idx.msk $0xffff, v15  }
0x89: {  	vm10 =	veq.f32 v8, $2.500000000e-01;
	vm5 =	vgt.f32 v4, $0.0e+00;
	vm7 =	vgt.f32 v3, $0.0e+00;
	[tilespmem:v1+s29+$0x4010 ss:$0x1] =	vst.idx.msk $0xffff, v9;
	s29 =	smov.u32 s30  }
0x8a: {  	vm9 =	vmor vm9, vm10;
	v8 =	vsel vm2, $0x3F800000, v0;
	v7 =	vsel vm3, $0x3F800000, v0;
	[tilespmem:v1+s2+$0x4020 ss:$0x1] =	vst.idx.msk $0xffff, v10  }
0x8b: {  	s0 =	sadd.s32 $0x400, s0;
	vm2 =	veq.f32 v14, $0.0e+00;
	vm3 =	veq.f32 v14, $2.500000000e-01;
	[tilespmem:v1+s2+$0x4050 ss:$0x1] =	vst.idx.msk $0xffff, v7;
	v7 =	vsel vm9, $0x3F800000, v0  }
0x8c: {  	_ =	sdelay $0x3  }
0x8d: {  	[tilespmem:v1+s28+$0x4040 ss:$0x1] =	vst.idx.msk $0xffff, v8  }
0x8e: {  	v9 =	vsel vm8, $0x3F800000, v0;
	[tilespmem:v1+s29+$0x4050 ss:$0x1] =	vst.idx.msk $0xffff, v7  }
0x8f: {  	[tilespmem:v1+s29+$0x4020 ss:$0x1] =	vst.idx.msk $0xffff, v9  }
0x90: {  	v61 =	vsel vm6, $0x3F800000, v0;
	[tilespmem:v1+s29+$0x4040 ss:$0x1] =	vst.idx.msk $0xffff, v6  }
0x91: {  	vm14 =	vgt.f32 v5, $0.0e+00;
	vm15 =	veq.f32 v5, $0.0e+00;
	v62 =	vsel vm7, $0x3F800000, v0;
	[tilespmem:v1+s28+$0x4010 ss:$0x1] =	vst.idx.msk $0xffff, v61  }
0x92: {  	vm9 =	veq.f32 v5, $2.500000000e-01;
	v63 =	vsel vm4, $0x3F800000, v0;
	vm11 =	veq.f32 v3, $0.0e+00;
	[tilespmem:v1+s28+$0x4000 ss:$0x1] =	vst.idx.msk $0xffff, v62  }
0x93: {  	vm12 =	veq.f32 v3, $2.500000000e-01;
	v60 =	vsel vm14, $0x3F800000, v0;
	vm9 =	vmor vm15, vm9;
	[tilespmem:v1+s28+$0x4070 ss:$0x1] =	vst.idx.msk $0xffff, v63  }
0x94: {  	vm10 =	veq.f32 v2, $2.500000000e-01;
	s26 =	sadd.s32 $0x1, s26;
	vm13 =	vmor vm11, vm12;
	[tilespmem:v1+s28+$0x4030 ss:$0x1] =	vst.idx.msk $0xffff, v60;
	v2 =	vsel vm9, $0x3F800000, v0  }
0x95: {  	vm1 =	vmor vm1, vm10;
	p0 =	sne.s32 s26, $0x20;
	v3 =	vsel vm13, $0x3F800000, v0;
	[tilespmem:v1+s29+$0x4030 ss:$0x1] =	vst.idx.msk $0xffff, v2  }
.Ltmp6:
0x96: {  	vm14 =	veq.f32 v4, $2.500000000e-01;
	v2 =	vsel vm1, $0x3F800000, v0;
	[tilespmem:v1+s29+$0x4000 ss:$0x1] =	vst.idx.msk $0xffff, v3;
	(pc) =	sbr.rel @p0 .LBB2_11-.Ltmp6, $4  }
0x97: {  	vm0 =	vmor vm0, vm14;
	[tilespmem:v1+s29+$0x4070 ss:$0x1] =	vst.idx.msk $0xffff, v2;
	v2 =	vsel vm5, $0x3F800000, v0  }
0x98: {  	vm15 =	vmor vm2, vm3;
	v3 =	vsel vm0, $0x3F800000, v0;
	[tilespmem:v1+s28+$0x4060 ss:$0x1] =	vst.idx.msk $0xffff, v2  }
0x99: {  	v2 =	vsel vm15, $0x3F800000, v0;
	[tilespmem:v1+s29+$0x4060 ss:$0x1] =	vst.idx.msk $0xffff, v3  }
0x9a: {  	s25 =	sadd.s32 $0x1, s25;
	s24 =	sadd.s32 $0x200, s24;
	[tilespmem:v1+s29+$0x4010 ss:$0x1] =	vst.idx.msk $0xffff, v2  }
0x9b: {  	s0 =	sshll.u32 s22, $0xE  }
0x9c: {  	s21 =	sadd.s32 $0x1, s21;
	s0 =	sand.u32 $0x3C000, s0  }
0x9d: {  	p0 =	sne.s32 s21, $0x10;
	s0 =	sor.u32 s23, s0  }
.Ltmp7:
0x9e: {  	s0 =	sshrl.u32 s0, $0x3;
	(pc) =	sbr.rel @p0 .LBB2_2-.Ltmp7, $4  }
0x9f: {  	s2 =	sadd.s32 s3, s0  }
0xa0: {  	[hbm4b:s2+s4] =	stream.linear.scatter [tilespmem:s16], [sflag:$0x4], $0x4000, $0x38;
	[tilespmem:$0x18000] =	vst v63  }
0xa1: {  	s0 =	sadd.s32 s0, s7  }
0xa2: {  	[hbm4b:s0+s4] =	stream.linear.scatter [tilespmem:s17], [sflag:$0x6], $0x4000, $0x38;
	[tilespmem:$0x18000] =	vst v63  }
0xa3: {  	_ =	swait.ge [sflag:s18], $0x4000  }
0xa4: {  	[sflag:s18] =	ssyncset.done $0x0  }
0xa5: {  	[sflag:s18] =	ssyncadd.s32 $0xFFFFC000  }
0xa6: {  	_ =	swait.ge [sflag:s19], $0x4000  }
0xa7: {  	[sflag:s19] =	ssyncset.done $0x0  }
0xa8: {  	s20 =	sadd.s32 $0x1, s20;
	[sflag:s19] =	ssyncadd.s32 $0xFFFFC000  }
0xa9: {  	p0 =	sne.s32 s20, s8;
	_ =	swait.ge [sflag:s14], $0x4000  }
.Ltmp8:
0xaa: {  	[sflag:s14] =	ssyncset.done $0x0;
	(pc) =	sbr.rel @p0 .LBB2_1-.Ltmp8, $4  }
0xab: {  	[sflag:s14] =	ssyncadd.s32 $0xFFFFC000  }
0xac: {  	_ =	swait.ge [sflag:s15], $0x4000  }
0xad: {  	[sflag:s15] =	ssyncset.done $0x0  }
0xae: {  	[sflag:s15] =	ssyncadd.s32 $0xFFFFC000  }
0xaf: {  	_ =	sfence.sel $0x180000  }
0xb0: {  	[bflag:$0x0] =	sbarrier.arrive $0xFFFF  }
0xb1: {  	_ =	strace $0x90000047  }
0xb2: {  	s0 =	stileid.u32;
	[bflag:$0x2] =	sbarrier.arrive $0xFFFF  }
0xb3: {  	p0 =	sne.s32 s0, $0x0;
	s0 =	rddreg [dreg:$0x2]  }
0xb4: {  	s0 =	sadd.s32 @!p0 $0x100000, s0  }
0xb5: {  	[sflag:s0] =	ssyncadd.tile.s32 @!p0 $0x1;
	_ =	shalt  }
.Lfunc_end2:
_tile_overlayer_lowered:
.L_overlay_start_2:
0xb6: {  	(tag) =	ssettag $0x2  }
0xb7: {  	s0 =	rddreg [dreg:$0x0];
	s2 =	stileid.u32  }
0xb8: {  	s1 =	rddreg [dreg:$0x1];
	p0 =	sne.s32 s2, $0x0  }
0xb9: {  	s3 =	rddreg [dreg:$0x2];
	[bflag:$0x3] =	sbarrier.arrive $0xFFFF;
	s2 =	simm.s32 @!p0 $0x1C07  }
0xba: {  	[timem:s3], [sflag:s2] =	dma.local @!p0 [hbm:s0], s1  }
0xbb: {  	s0 =	simm.s32 @!p0 $0x7  }
0xbc: {  	_ =	swait.ge @!p0 [sflag:s0], s1  }
0xbd: {  	s1 =	ssub.s32 @!p0 $0x0, s1;
	[sflag:s0] =	ssyncset.done @!p0 $0x0  }
0xbe: {  	[sflag:s0] =	ssyncadd.s32 @!p0 s1  }
0xbf: {  	[bflag:$0x3] =	sbarrier.arrive $0xFFFF  }
0xc0: {  	_ =	shalt  }

</sc_bundles>
